<compile_context>
chip_gen: v7x
topology: tpu7x:2x2x1
jax: 0.10.2.dev20260603
libtpu: 0.0.44.dev20260713+nightly
codegen_flags: <defaults>
</compile_context>

<pallas_src>
import functools
import math

import jax
import jax.numpy as jnp
from jax import lax
from jax.experimental import pallas as pl
from jax.experimental.pallas import tpu as pltpu
from jax.experimental.pallas import tpu_sc as plsc

_GX, _GY, _GZ = 256, 256, 256
_SIGMA = 0.8
_TIME_CONST = 1000.0 / math.log(_SIGMA)

_X0 = 160
_TC_BLK = 16
_TC_NBLK = _X0 // _TC_BLK
_TC_ROWS = _TC_BLK * _GY

_NWORK = 32
_SC_SLABS = (_GX - _X0) // _NWORK
_CHUNK = 128
_CWORDS = _CHUNK * _GZ
_SC_ROWS = (_GX - _X0) * _GY
_PS_WORDS = _SC_ROWS * 16


def _tc_body(x_ref, w_ref, val_ref, idx_ref, maxval, maxidx):
    i = pl.program_id(0)

    wv = w_ref[...].reshape(_TC_ROWS, _GZ)
    scores = jnp.dot(wv, x_ref[...], preferred_element_type=jnp.float32)

    bm = jnp.max(scores)
    better = jnp.logical_or(i == 0, bm > maxval[0])

    @pl.when(better)
    def _():
        ii = lax.broadcasted_iota(jnp.int32, scores.shape, 0)
        bidx = jnp.min(jnp.where(scores == bm, ii, jnp.int32(2**30)))
        maxval[0] = bm
        maxidx[0] = i * _TC_ROWS + bidx

    @pl.when(i == _TC_NBLK - 1)
    def _():
        val_ref[0, 0] = maxval[0]
        idx_ref[0, 0] = maxidx[0]


def _sc_body(x_hbm, w_hbm, vals_hbm, idxs_hbm,
             x_v, buf0, buf1, stage_v, stage_i, sem0, sem1):
    wid = lax.axis_index("c") * (_NWORK // 2) + lax.axis_index("s")
    x0 = _X0 + wid * _SC_SLABS

    pltpu.sync_copy(x_hbm, x_v)
    xs = [x_v[pl.ds(16 * k, 16)] for k in range(16)]

    def start(ci, h):
        buf = buf0 if h == 0 else buf1
        sem = sem0 if h == 0 else sem1
        return pltpu.async_copy(
            w_hbm.at[x0 + ci, pl.ds(h * _CHUNK, _CHUNK), :], buf, sem)

    c00 = start(0, 0)
    c01 = start(0, 1)

    def chunk_rows(buf_ref, base, carry):
        def row_step(r2, carry):
            for h in range(2):
                cmax, cidx = carry
                r = r2 * 2 + h
                row = buf_ref.at[r]
                ps = [row[pl.ds(16 * k, 16)] * xs[k] for k in range(16)]
                while len(ps) > 1:
                    ps = [ps[2 * j] + ps[2 * j + 1] for j in range(len(ps) // 2)]
                ss = [ps[0][u] for u in range(16)]
                while len(ss) > 1:
                    ss = [ss[2 * j] + ss[2 * j + 1] for j in range(len(ss) // 2)]
                s = ss[0]
                upd = s > cmax
                carry = (jnp.where(upd, s, cmax), jnp.where(upd, base + r, cidx))
            return carry

        return lax.fori_loop(0, _CHUNK // 2, row_step, carry)

    def chunk_pair(ci, carry):
        c00.wait()
        carry = chunk_rows(buf0, (x0 + ci) * _GY, carry)

        @pl.when(ci < _SC_SLABS - 1)
        def _():
            start(ci + 1, 0)

        c01.wait()
        carry = chunk_rows(buf1, (x0 + ci) * _GY + _CHUNK, carry)

        @pl.when(ci < _SC_SLABS - 1)
        def _():
            start(ci + 1, 1)

        return carry

    init = (jnp.float32(-jnp.inf), jnp.int32(0))
    cmax, cidx = lax.fori_loop(0, _SC_SLABS, chunk_pair, init)

    stage_v[...] = jnp.full((16,), cmax, jnp.float32)
    stage_i[...] = jnp.full((16,), cidx, jnp.int32)
    pltpu.sync_copy(stage_v, vals_hbm.at[wid])
    pltpu.sync_copy(stage_i, idxs_hbm.at[wid])


def _combine_body(t_ref, tcv_ref, tci_ref, scv_ref, sci_ref, o_ref):
    scv = scv_ref[...]
    sci = sci_ref[...]
    scm = jnp.max(scv)
    sc_idx = jnp.min(jnp.where(scv == scm, sci, jnp.int32(2**30)))

    tcv = tcv_ref[0, 0]
    wflat = jnp.where(tcv >= scm, tci_ref[0, 0], sc_idx)

    wi = (wflat // _GY).astype(jnp.float32)
    wj = (wflat % _GY).astype(jnp.float32)
    tf = jnp.full((_GX, _GY), t_ref[0, 0], jnp.float32)
    decay = _SIGMA * jnp.exp(-tf / _TIME_CONST)
    den = 2.0 * decay * decay
    gi = lax.broadcasted_iota(jnp.int32, (_GX, _GY), 0).astype(jnp.float32)
    gj = lax.broadcasted_iota(jnp.int32, (_GX, _GY), 1).astype(jnp.float32)
    o_ref[...] = jnp.exp(-((gi - wi) ** 2 / den)) * jnp.exp(-((gj - wj) ** 2 / den))


@functools.partial(
    pl.kernel,
    mesh=plsc.VectorSubcoreMesh(core_axis_name="c", subcore_axis_name="s"),
    out_type=[
        jax.ShapeDtypeStruct((_NWORK, 16), jnp.float32),
        jax.ShapeDtypeStruct((_NWORK, 16), jnp.int32),
    ],
    scratch_types=[
        pltpu.VMEM((_GZ,), jnp.float32),
        pltpu.VMEM((_CHUNK, _GZ), jnp.float32),
        pltpu.VMEM((_CHUNK, _GZ), jnp.float32),
        pltpu.VMEM((16,), jnp.float32),
        pltpu.VMEM((16,), jnp.int32),
        pltpu.SemaphoreType.DMA,
        pltpu.SemaphoreType.DMA,
    ],
)
def _sc_kernel(x_hbm, w_hbm, vals_hbm, idxs_hbm,
               x_v, buf0, buf1, stage_v, stage_i, sem0, sem1):
    _sc_body(x_hbm, w_hbm, vals_hbm, idxs_hbm,
             x_v, buf0, buf1, stage_v, stage_i, sem0, sem1)


def kernel(x, t, W):
    t2 = jnp.asarray(t, jnp.float32).reshape(1, 1)
    x2 = x.reshape(_GZ, 1)

    tcv, tci = pl.pallas_call(
        _tc_body,
        grid=(_TC_NBLK,),
        in_specs=[
            pl.BlockSpec((_GZ, 1), lambda i: (0, 0)),
            pl.BlockSpec((_TC_BLK, _GY, _GZ), lambda i: (i, 0, 0)),
        ],
        out_specs=[
            pl.BlockSpec(memory_space=pltpu.SMEM),
            pl.BlockSpec(memory_space=pltpu.SMEM),
        ],
        out_shape=[
            jax.ShapeDtypeStruct((1, 1), jnp.float32),
            jax.ShapeDtypeStruct((1, 1), jnp.int32),
        ],
        scratch_shapes=[
            pltpu.SMEM((1,), jnp.float32),
            pltpu.SMEM((1,), jnp.int32),
        ],
    )(x2, W)

    scv, sci = _sc_kernel(x, W)

    out = pl.pallas_call(
        _combine_body,
        in_specs=[
            pl.BlockSpec(memory_space=pltpu.SMEM),
            pl.BlockSpec(memory_space=pltpu.SMEM),
            pl.BlockSpec(memory_space=pltpu.SMEM),
            pl.BlockSpec((_NWORK, 16), lambda: (0, 0)),
            pl.BlockSpec((_NWORK, 16), lambda: (0, 0)),
        ],
        out_specs=pl.BlockSpec((_GX, _GY), lambda: (0, 0)),
        out_shape=jax.ShapeDtypeStruct((_GX, _GY), jnp.float32),
    )(t2, tcv, tci, scv, sci)
    return out

# --- scband reference (transcript-rebuilt; emitter-appended) ---
"""Pipeline reference for scband-som-9844065042760 (READ-ONLY COPY).

The authoritative reference and input builder live on the scoring server;
editing this copy changes nothing except your own understanding.
"""

import jax, jax.numpy as jnp
import numpy as np
import math

GX, GY, GZ = 256, 256, 256
SIGMA = 0.8
TIME_CONST = 1000.0 / math.log(SIGMA)


def setup_inputs(seed: int = 0) -> dict:
    key = jax.random.key(seed)
    k1, k2 = jax.random.split(key)
    x = jax.random.normal(k1, (GZ,), dtype=jnp.float32)
    W = jax.random.normal(k2, (GX, GY, GZ), dtype=jnp.float32)
    W = W / jnp.linalg.norm(W, axis=-1, keepdims=True)
    return {"x": x, "t": 100, "W": W}


def reference(x, t, W):
    X, Y, Z = W.shape
    # meshgrid with indexing='xy' -> shapes (Y, X), matching torch
    gx, gy = jnp.meshgrid(jnp.arange(X), jnp.arange(Y), indexing="xy")

    # Competitive step: winner neuron coordinates
    d = jnp.linalg.norm(x - W, ord=2, axis=-1)  # (X, Y)
    flat = jnp.argmin(d)
    wi, wj = jnp.unravel_index(flat, d.shape)

    # Cooperative step: neighbourhood function with exponential decay
    decay = SIGMA * jnp.exp(-t / TIME_CONST)
    dxg = (gx - gx.T[wi, wj]) ** 2  # (Y, X)
    dyg = (gy - gy.T[wi, wj]) ** 2
    hx = jnp.exp(-(dxg / (2.0 * decay * decay)))
    hy = jnp.exp(-(dyg / (2.0 * decay * decay)))
    return (hx * hy).T  # (X, Y)

if __name__ == "__main__":
    import jax
    _d = setup_inputs()
    print(jax.jit(kernel)(*tuple(_d.values())))

</pallas_src>

<mosaic_0001>
#map = affine_map<(d0, d1) -> (0)>
#map1 = affine_map<(d0, d1) -> (0, 0, 0)>
#map2 = affine_map<(d0, d1) -> (0, 0)>
module attributes {stable_mosaic.version = 14 : i64} {
  func.func @_sc_kernel(%arg0: i32, %arg1: i32, %arg2: memref<256xf32, #tpu.memory_space<hbm>>, %arg3: memref<256x256x256xf32, #tpu.memory_space<hbm>>, %arg4: memref<32x16xf32, #tpu.memory_space<hbm>>, %arg5: memref<32x16xi32, #tpu.memory_space<hbm>>, %arg6: memref<256xf32, #tpu.memory_space<vmem>>, %arg7: memref<128x256xf32, #tpu.memory_space<vmem>>, %arg8: memref<128x256xf32, #tpu.memory_space<vmem>>, %arg9: memref<16xf32, #tpu.memory_space<vmem>>, %arg10: memref<16xi32, #tpu.memory_space<vmem>>, %arg11: memref<!tpu.dma_semaphore, #tpu.memory_space<semaphore_mem>>, %arg12: memref<!tpu.dma_semaphore, #tpu.memory_space<semaphore_mem>>) attributes {dimension_semantics = [#tpu.dimension_semantics<core_parallel>, #tpu.dimension_semantics<subcore_parallel>], iteration_bounds = array<i64: 2, 16>, scalar_prefetch = 0 : i64, scratch_operands = 7 : i64, tpu.core_type = #tpu.core_type<sc_vector_subcore>, window_params = [{transform_indices = #map}, {transform_indices = #map1}, {transform_indices = #map2}, {transform_indices = #map2}]} {
    %mul3A = arith.constant 16 : i32
    %mul3A_0 = arith.muli %arg0, %mul3A : i32
    %add3A = arith.addi %mul3A_0, %arg1 : i32
    %mul3A_1 = arith.constant 3 : i32
    %mul3A_2 = arith.muli %add3A, %mul3A_1 : i32
    %add3A_3 = arith.constant 160 : i32
    %add3A_4 = arith.addi %add3A_3, %mul3A_2 : i32
    "tpu.region"() ({
      %run_scoped3A = tpu.sem_alloc : memref<!tpu.dma_semaphore, #tpu.memory_space<semaphore_mem>>
      tpu.enqueue_dma source(%arg2 : memref<256xf32, #tpu.memory_space<hbm>>) target(%arg6 : memref<256xf32, #tpu.memory_space<vmem>>) target_semaphore(%run_scoped3A : memref<!tpu.dma_semaphore, #tpu.memory_space<semaphore_mem>>)
      tpu.wait_dma2 semaphore(%run_scoped3A : memref<!tpu.dma_semaphore, #tpu.memory_space<semaphore_mem>>) src(%arg2 : memref<256xf32, #tpu.memory_space<hbm>>) dst(%arg6 : memref<256xf32, #tpu.memory_space<vmem>>)
      tpu.yield
    }) : () -> ()
    %get3A = arith.constant 0 : index
    %get3A_5 = tpu.vector_load %arg6[%get3A] {strides = array<i32>} : memref<256xf32, #tpu.memory_space<vmem>>, vector<16xf32>,
    %get3A_6 = vector.shape_cast %get3A_5 : vector<16xf32> to vector<16xf32>
    %get3A_7 = arith.constant 16 : index
    %get3A_8 = tpu.vector_load %arg6[%get3A_7] {strides = array<i32>} : memref<256xf32, #tpu.memory_space<vmem>>, vector<16xf32>,
    %get3A_9 = vector.shape_cast %get3A_8 : vector<16xf32> to vector<16xf32>
    %get3A_10 = arith.constant 32 : index
    %get3A_11 = tpu.vector_load %arg6[%get3A_10] {strides = array<i32>} : memref<256xf32, #tpu.memory_space<vmem>>, vector<16xf32>,
    %get3A_12 = vector.shape_cast %get3A_11 : vector<16xf32> to vector<16xf32>
    %get3A_13 = arith.constant 48 : index
    %get3A_14 = tpu.vector_load %arg6[%get3A_13] {strides = array<i32>} : memref<256xf32, #tpu.memory_space<vmem>>, vector<16xf32>,
    %get3A_15 = vector.shape_cast %get3A_14 : vector<16xf32> to vector<16xf32>
    %get3A_16 = arith.constant 64 : index
    %get3A_17 = tpu.vector_load %arg6[%get3A_16] {strides = array<i32>} : memref<256xf32, #tpu.memory_space<vmem>>, vector<16xf32>,
    %get3A_18 = vector.shape_cast %get3A_17 : vector<16xf32> to vector<16xf32>
    %get3A_19 = arith.constant 80 : index
    %get3A_20 = tpu.vector_load %arg6[%get3A_19] {strides = array<i32>} : memref<256xf32, #tpu.memory_space<vmem>>, vector<16xf32>,
    %get3A_21 = vector.shape_cast %get3A_20 : vector<16xf32> to vector<16xf32>
    %get3A_22 = arith.constant 96 : index
    %get3A_23 = tpu.vector_load %arg6[%get3A_22] {strides = array<i32>} : memref<256xf32, #tpu.memory_space<vmem>>, vector<16xf32>,
    %get3A_24 = vector.shape_cast %get3A_23 : vector<16xf32> to vector<16xf32>
    %get3A_25 = arith.constant 112 : index
    %get3A_26 = tpu.vector_load %arg6[%get3A_25] {strides = array<i32>} : memref<256xf32, #tpu.memory_space<vmem>>, vector<16xf32>,
    %get3A_27 = vector.shape_cast %get3A_26 : vector<16xf32> to vector<16xf32>
    %get3A_28 = arith.constant 128 : index
    %get3A_29 = tpu.vector_load %arg6[%get3A_28] {strides = array<i32>} : memref<256xf32, #tpu.memory_space<vmem>>, vector<16xf32>,
    %get3A_30 = vector.shape_cast %get3A_29 : vector<16xf32> to vector<16xf32>
    %get3A_31 = arith.constant 144 : index
    %get3A_32 = tpu.vector_load %arg6[%get3A_31] {strides = array<i32>} : memref<256xf32, #tpu.memory_space<vmem>>, vector<16xf32>,
    %get3A_33 = vector.shape_cast %get3A_32 : vector<16xf32> to vector<16xf32>
    %get3A_34 = arith.constant 160 : index
    %get3A_35 = tpu.vector_load %arg6[%get3A_34] {strides = array<i32>} : memref<256xf32, #tpu.memory_space<vmem>>, vector<16xf32>,
    %get3A_36 = vector.shape_cast %get3A_35 : vector<16xf32> to vector<16xf32>
    %get3A_37 = arith.constant 176 : index
    %get3A_38 = tpu.vector_load %arg6[%get3A_37] {strides = array<i32>} : memref<256xf32, #tpu.memory_space<vmem>>, vector<16xf32>,
    %get3A_39 = vector.shape_cast %get3A_38 : vector<16xf32> to vector<16xf32>
    %get3A_40 = arith.constant 192 : index
    %get3A_41 = tpu.vector_load %arg6[%get3A_40] {strides = array<i32>} : memref<256xf32, #tpu.memory_space<vmem>>, vector<16xf32>,
    %get3A_42 = vector.shape_cast %get3A_41 : vector<16xf32> to vector<16xf32>
    %get3A_43 = arith.constant 208 : index
    %get3A_44 = tpu.vector_load %arg6[%get3A_43] {strides = array<i32>} : memref<256xf32, #tpu.memory_space<vmem>>, vector<16xf32>,
    %get3A_45 = vector.shape_cast %get3A_44 : vector<16xf32> to vector<16xf32>
    %get3A_46 = arith.constant 224 : index
    %get3A_47 = tpu.vector_load %arg6[%get3A_46] {strides = array<i32>} : memref<256xf32, #tpu.memory_space<vmem>>, vector<16xf32>,
    %get3A_48 = vector.shape_cast %get3A_47 : vector<16xf32> to vector<16xf32>
    %get3A_49 = arith.constant 240 : index
    %get3A_50 = tpu.vector_load %arg6[%get3A_49] {strides = array<i32>} : memref<256xf32, #tpu.memory_space<vmem>>, vector<16xf32>,
    %get3A_51 = vector.shape_cast %get3A_50 : vector<16xf32> to vector<16xf32>
    %add3A_52 = arith.constant 0 : i32
    %add3A_53 = arith.addi %add3A_4, %add3A_52 : i32
    %dma_start3A = arith.constant 0 : i32
    %dma_start3A_54 = arith.constant 0 : i32
    %dma_start3A_55 = tpu.memref_slice %arg3[%add3A_53, %dma_start3A, %dma_start3A_54] : memref<256x256x256xf32, #tpu.memory_space<hbm>> -> memref<1x128x256xf32, #tpu.memory_space<hbm>>
    %dma_start3A_56 = tpu.memref_squeeze %dma_start3A_55 : memref<1x128x256xf32, #tpu.memory_space<hbm>> -> memref<128x256xf32, #tpu.memory_space<hbm>>
    %dma_start3A_57 = arith.constant 0 : i32
    %dma_start3A_58 = arith.constant 0 : i32
    %dma_start3A_59 = tpu.memref_slice %arg3[%add3A_53, %dma_start3A_57, %dma_start3A_58] : memref<256x256x256xf32, #tpu.memory_space<hbm>> -> memref<1x128x256xf32, #tpu.memory_space<hbm>>
    %dma_start3A_60 = tpu.memref_squeeze %dma_start3A_59 : memref<1x128x256xf32, #tpu.memory_space<hbm>> -> memref<128x256xf32, #tpu.memory_space<hbm>>
    tpu.enqueue_dma source(%dma_start3A_60 : memref<128x256xf32, #tpu.memory_space<hbm>>) target(%arg7 : memref<128x256xf32, #tpu.memory_space<vmem>>) target_semaphore(%arg11 : memref<!tpu.dma_semaphore, #tpu.memory_space<semaphore_mem>>)
    %add3A_61 = arith.constant 0 : i32
    %add3A_62 = arith.addi %add3A_4, %add3A_61 : i32
    %dma_start3A_63 = arith.constant 128 : i32
    %dma_start3A_64 = arith.constant 0 : i32
    %dma_start3A_65 = tpu.memref_slice %arg3[%add3A_62, %dma_start3A_63, %dma_start3A_64] : memref<256x256x256xf32, #tpu.memory_space<hbm>> -> memref<1x128x256xf32, #tpu.memory_space<hbm>>
    %dma_start3A_66 = tpu.memref_squeeze %dma_start3A_65 : memref<1x128x256xf32, #tpu.memory_space<hbm>> -> memref<128x256xf32, #tpu.memory_space<hbm>>
    %dma_start3A_67 = arith.constant 128 : i32
    %dma_start3A_68 = arith.constant 0 : i32
    %dma_start3A_69 = tpu.memref_slice %arg3[%add3A_62, %dma_start3A_67, %dma_start3A_68] : memref<256x256x256xf32, #tpu.memory_space<hbm>> -> memref<1x128x256xf32, #tpu.memory_space<hbm>>
    %dma_start3A_70 = tpu.memref_squeeze %dma_start3A_69 : memref<1x128x256xf32, #tpu.memory_space<hbm>> -> memref<128x256xf32, #tpu.memory_space<hbm>>
    tpu.enqueue_dma source(%dma_start3A_70 : memref<128x256xf32, #tpu.memory_space<hbm>>) target(%arg8 : memref<128x256xf32, #tpu.memory_space<vmem>>) target_semaphore(%arg12 : memref<!tpu.dma_semaphore, #tpu.memory_space<semaphore_mem>>)
    %scan3A = arith.constant 0xFF800000 : f32
    %scan3A_71 = arith.constant 0 : i32
    %scan3A_72 = arith.constant 0 : i32
    %scan3A_73 = arith.constant 3 : i32
    %scan3A_74 = arith.addi %scan3A_72, %scan3A_73 : i32
    %scan3A_75 = arith.constant 1 : i32
    %scan3A_76:2 = scf.for %scan3A_86 = %scan3A_72 to %scan3A_74 step %scan3A_75 iter_args(%scan3A_87 = %scan3A, %scan3A_88 = %scan3A_71) -> (f32, i32)  : i32 {
      %dma_wait3A = arith.constant 0 : i32
      %dma_wait3A_89 = arith.constant 0 : i32
      %dma_wait3A_90 = tpu.memref_slice %arg3[%add3A_53, %dma_wait3A, %dma_wait3A_89] : memref<256x256x256xf32, #tpu.memory_space<hbm>> -> memref<1x128x256xf32, #tpu.memory_space<hbm>>
      %dma_wait3A_91 = tpu.memref_squeeze %dma_wait3A_90 : memref<1x128x256xf32, #tpu.memory_space<hbm>> -> memref<128x256xf32, #tpu.memory_space<hbm>>
      %dma_wait3A_92 = arith.constant 0 : i32
      %dma_wait3A_93 = arith.constant 0 : i32
      %dma_wait3A_94 = tpu.memref_slice %arg3[%add3A_53, %dma_wait3A_92, %dma_wait3A_93] : memref<256x256x256xf32, #tpu.memory_space<hbm>> -> memref<1x128x256xf32, #tpu.memory_space<hbm>>
      %dma_wait3A_95 = tpu.memref_squeeze %dma_wait3A_94 : memref<1x128x256xf32, #tpu.memory_space<hbm>> -> memref<128x256xf32, #tpu.memory_space<hbm>>
      tpu.wait_dma2 semaphore(%arg11 : memref<!tpu.dma_semaphore, #tpu.memory_space<semaphore_mem>>) src(%dma_wait3A_95 : memref<128x256xf32, #tpu.memory_space<hbm>>) dst(%arg7 : memref<128x256xf32, #tpu.memory_space<vmem>>)
      %add3A_96 = arith.addi %add3A_4, %scan3A_86 : i32
      %mul3A_97 = arith.constant 256 : i32
      %mul3A_98 = arith.muli %add3A_96, %mul3A_97 : i32
      %scan3A_99 = arith.constant 0 : i32
      %scan3A_100 = arith.constant 64 : i32
      %scan3A_101 = arith.addi %scan3A_99, %scan3A_100 : i32
      %scan3A_102 = arith.constant 1 : i32
      %scan3A_103:2 = scf.for %scan3A_131 = %scan3A_99 to %scan3A_101 step %scan3A_102 iter_args(%scan3A_132 = %scan3A_87, %scan3A_133 = %scan3A_88) -> (f32, i32)  : i32 {
        %mul3A_134 = arith.constant 2 : i32
        %mul3A_135 = arith.muli %scan3A_131, %mul3A_134 : i32
        %add3A_136 = arith.constant 0 : i32
        %add3A_137 = arith.addi %mul3A_135, %add3A_136 : i32
        %get3A_138 = arith.constant 0 : i32
        %get3A_139 = tpu.memref_slice %arg7[%add3A_137, %get3A_138] : memref<128x256xf32, #tpu.memory_space<vmem>> -> memref<1x256xf32, #tpu.memory_space<vmem>>
        %get3A_140 = tpu.memref_squeeze %get3A_139 : memref<1x256xf32, #tpu.memory_space<vmem>> -> memref<256xf32, #tpu.memory_space<vmem>>
        %get3A_141 = arith.constant 0 : index
        %get3A_142 = tpu.vector_load %get3A_140[%get3A_141] {strides = array<i32>} : memref<256xf32, #tpu.memory_space<vmem>>, vector<16xf32>,
        %get3A_143 = vector.shape_cast %get3A_142 : vector<16xf32> to vector<16xf32>
        %mul3A_144 = arith.mulf %get3A_143, %get3A_6 : vector<16xf32>
        %get3A_145 = arith.constant 0 : i32
        %get3A_146 = tpu.memref_slice %arg7[%add3A_137, %get3A_145] : memref<128x256xf32, #tpu.memory_space<vmem>> -> memref<1x256xf32, #tpu.memory_space<vmem>>
        %get3A_147 = tpu.memref_squeeze %get3A_146 : memref<1x256xf32, #tpu.memory_space<vmem>> -> memref<256xf32, #tpu.memory_space<vmem>>
        %get3A_148 = arith.constant 16 : index
        %get3A_149 = tpu.vector_load %get3A_147[%get3A_148] {strides = array<i32>} : memref<256xf32, #tpu.memory_space<vmem>>, vector<16xf32>,
        %get3A_150 = vector.shape_cast %get3A_149 : vector<16xf32> to vector<16xf32>
        %mul3A_151 = arith.mulf %get3A_150, %get3A_9 : vector<16xf32>
        %get3A_152 = arith.constant 0 : i32
        %get3A_153 = tpu.memref_slice %arg7[%add3A_137, %get3A_152] : memref<128x256xf32, #tpu.memory_space<vmem>> -> memref<1x256xf32, #tpu.memory_space<vmem>>
        %get3A_154 = tpu.memref_squeeze %get3A_153 : memref<1x256xf32, #tpu.memory_space<vmem>> -> memref<256xf32, #tpu.memory_space<vmem>>
        %get3A_155 = arith.constant 32 : index
        %get3A_156 = tpu.vector_load %get3A_154[%get3A_155] {strides = array<i32>} : memref<256xf32, #tpu.memory_space<vmem>>, vector<16xf32>,
        %get3A_157 = vector.shape_cast %get3A_156 : vector<16xf32> to vector<16xf32>
        %mul3A_158 = arith.mulf %get3A_157, %get3A_12 : vector<16xf32>
        %get3A_159 = arith.constant 0 : i32
        %get3A_160 = tpu.memref_slice %arg7[%add3A_137, %get3A_159] : memref<128x256xf32, #tpu.memory_space<vmem>> -> memref<1x256xf32, #tpu.memory_space<vmem>>
        %get3A_161 = tpu.memref_squeeze %get3A_160 : memref<1x256xf32, #tpu.memory_space<vmem>> -> memref<256xf32, #tpu.memory_space<vmem>>
        %get3A_162 = arith.constant 48 : index
        %get3A_163 = tpu.vector_load %get3A_161[%get3A_162] {strides = array<i32>} : memref<256xf32, #tpu.memory_space<vmem>>, vector<16xf32>,
        %get3A_164 = vector.shape_cast %get3A_163 : vector<16xf32> to vector<16xf32>
        %mul3A_165 = arith.mulf %get3A_164, %get3A_15 : vector<16xf32>
        %get3A_166 = arith.constant 0 : i32
        %get3A_167 = tpu.memref_slice %arg7[%add3A_137, %get3A_166] : memref<128x256xf32, #tpu.memory_space<vmem>> -> memref<1x256xf32, #tpu.memory_space<vmem>>
        %get3A_168 = tpu.memref_squeeze %get3A_167 : memref<1x256xf32, #tpu.memory_space<vmem>> -> memref<256xf32, #tpu.memory_space<vmem>>
        %get3A_169 = arith.constant 64 : index
        %get3A_170 = tpu.vector_load %get3A_168[%get3A_169] {strides = array<i32>} : memref<256xf32, #tpu.memory_space<vmem>>, vector<16xf32>,
        %get3A_171 = vector.shape_cast %get3A_170 : vector<16xf32> to vector<16xf32>
        %mul3A_172 = arith.mulf %get3A_171, %get3A_18 : vector<16xf32>
        %get3A_173 = arith.constant 0 : i32
        %get3A_174 = tpu.memref_slice %arg7[%add3A_137, %get3A_173] : memref<128x256xf32, #tpu.memory_space<vmem>> -> memref<1x256xf32, #tpu.memory_space<vmem>>
        %get3A_175 = tpu.memref_squeeze %get3A_174 : memref<1x256xf32, #tpu.memory_space<vmem>> -> memref<256xf32, #tpu.memory_space<vmem>>
        %get3A_176 = arith.constant 80 : index
        %get3A_177 = tpu.vector_load %get3A_175[%get3A_176] {strides = array<i32>} : memref<256xf32, #tpu.memory_space<vmem>>, vector<16xf32>,
        %get3A_178 = vector.shape_cast %get3A_177 : vector<16xf32> to vector<16xf32>
        %mul3A_179 = arith.mulf %get3A_178, %get3A_21 : vector<16xf32>
        %get3A_180 = arith.constant 0 : i32
        %get3A_181 = tpu.memref_slice %arg7[%add3A_137, %get3A_180] : memref<128x256xf32, #tpu.memory_space<vmem>> -> memref<1x256xf32, #tpu.memory_space<vmem>>
        %get3A_182 = tpu.memref_squeeze %get3A_181 : memref<1x256xf32, #tpu.memory_space<vmem>> -> memref<256xf32, #tpu.memory_space<vmem>>
        %get3A_183 = arith.constant 96 : index
        %get3A_184 = tpu.vector_load %get3A_182[%get3A_183] {strides = array<i32>} : memref<256xf32, #tpu.memory_space<vmem>>, vector<16xf32>,
        %get3A_185 = vector.shape_cast %get3A_184 : vector<16xf32> to vector<16xf32>
        %mul3A_186 = arith.mulf %get3A_185, %get3A_24 : vector<16xf32>
        %get3A_187 = arith.constant 0 : i32
        %get3A_188 = tpu.memref_slice %arg7[%add3A_137, %get3A_187] : memref<128x256xf32, #tpu.memory_space<vmem>> -> memref<1x256xf32, #tpu.memory_space<vmem>>
        %get3A_189 = tpu.memref_squeeze %get3A_188 : memref<1x256xf32, #tpu.memory_space<vmem>> -> memref<256xf32, #tpu.memory_space<vmem>>
        %get3A_190 = arith.constant 112 : index
        %get3A_191 = tpu.vector_load %get3A_189[%get3A_190] {strides = array<i32>} : memref<256xf32, #tpu.memory_space<vmem>>, vector<16xf32>,
        %get3A_192 = vector.shape_cast %get3A_191 : vector<16xf32> to vector<16xf32>
        %mul3A_193 = arith.mulf %get3A_192, %get3A_27 : vector<16xf32>
        %get3A_194 = arith.constant 0 : i32
        %get3A_195 = tpu.memref_slice %arg7[%add3A_137, %get3A_194] : memref<128x256xf32, #tpu.memory_space<vmem>> -> memref<1x256xf32, #tpu.memory_space<vmem>>
        %get3A_196 = tpu.memref_squeeze %get3A_195 : memref<1x256xf32, #tpu.memory_space<vmem>> -> memref<256xf32, #tpu.memory_space<vmem>>
        %get3A_197 = arith.constant 128 : index
        %get3A_198 = tpu.vector_load %get3A_196[%get3A_197] {strides = array<i32>} : memref<256xf32, #tpu.memory_space<vmem>>, vector<16xf32>,
        %get3A_199 = vector.shape_cast %get3A_198 : vector<16xf32> to vector<16xf32>
        %mul3A_200 = arith.mulf %get3A_199, %get3A_30 : vector<16xf32>
        %get3A_201 = arith.constant 0 : i32
        %get3A_202 = tpu.memref_slice %arg7[%add3A_137, %get3A_201] : memref<128x256xf32, #tpu.memory_space<vmem>> -> memref<1x256xf32, #tpu.memory_space<vmem>>
        %get3A_203 = tpu.memref_squeeze %get3A_202 : memref<1x256xf32, #tpu.memory_space<vmem>> -> memref<256xf32, #tpu.memory_space<vmem>>
        %get3A_204 = arith.constant 144 : index
        %get3A_205 = tpu.vector_load %get3A_203[%get3A_204] {strides = array<i32>} : memref<256xf32, #tpu.memory_space<vmem>>, vector<16xf32>,
        %get3A_206 = vector.shape_cast %get3A_205 : vector<16xf32> to vector<16xf32>
        %mul3A_207 = arith.mulf %get3A_206, %get3A_33 : vector<16xf32>
        %get3A_208 = arith.constant 0 : i32
        %get3A_209 = tpu.memref_slice %arg7[%add3A_137, %get3A_208] : memref<128x256xf32, #tpu.memory_space<vmem>> -> memref<1x256xf32, #tpu.memory_space<vmem>>
        %get3A_210 = tpu.memref_squeeze %get3A_209 : memref<1x256xf32, #tpu.memory_space<vmem>> -> memref<256xf32, #tpu.memory_space<vmem>>
        %get3A_211 = arith.constant 160 : index
        %get3A_212 = tpu.vector_load %get3A_210[%get3A_211] {strides = array<i32>} : memref<256xf32, #tpu.memory_space<vmem>>, vector<16xf32>,
        %get3A_213 = vector.shape_cast %get3A_212 : vector<16xf32> to vector<16xf32>
        %mul3A_214 = arith.mulf %get3A_213, %get3A_36 : vector<16xf32>
        %get3A_215 = arith.constant 0 : i32
        %get3A_216 = tpu.memref_slice %arg7[%add3A_137, %get3A_215] : memref<128x256xf32, #tpu.memory_space<vmem>> -> memref<1x256xf32, #tpu.memory_space<vmem>>
        %get3A_217 = tpu.memref_squeeze %get3A_216 : memref<1x256xf32, #tpu.memory_space<vmem>> -> memref<256xf32, #tpu.memory_space<vmem>>
        %get3A_218 = arith.constant 176 : index
        %get3A_219 = tpu.vector_load %get3A_217[%get3A_218] {strides = array<i32>} : memref<256xf32, #tpu.memory_space<vmem>>, vector<16xf32>,
        %get3A_220 = vector.shape_cast %get3A_219 : vector<16xf32> to vector<16xf32>
        %mul3A_221 = arith.mulf %get3A_220, %get3A_39 : vector<16xf32>
        %get3A_222 = arith.constant 0 : i32
        %get3A_223 = tpu.memref_slice %arg7[%add3A_137, %get3A_222] : memref<128x256xf32, #tpu.memory_space<vmem>> -> memref<1x256xf32, #tpu.memory_space<vmem>>
        %get3A_224 = tpu.memref_squeeze %get3A_223 : memref<1x256xf32, #tpu.memory_space<vmem>> -> memref<256xf32, #tpu.memory_space<vmem>>
        %get3A_225 = arith.constant 192 : index
        %get3A_226 = tpu.vector_load %get3A_224[%get3A_225] {strides = array<i32>} : memref<256xf32, #tpu.memory_space<vmem>>, vector<16xf32>,
        %get3A_227 = vector.shape_cast %get3A_226 : vector<16xf32> to vector<16xf32>
        %mul3A_228 = arith.mulf %get3A_227, %get3A_42 : vector<16xf32>
        %get3A_229 = arith.constant 0 : i32
        %get3A_230 = tpu.memref_slice %arg7[%add3A_137, %get3A_229] : memref<128x256xf32, #tpu.memory_space<vmem>> -> memref<1x256xf32, #tpu.memory_space<vmem>>
        %get3A_231 = tpu.memref_squeeze %get3A_230 : memref<1x256xf32, #tpu.memory_space<vmem>> -> memref<256xf32, #tpu.memory_space<vmem>>
        %get3A_232 = arith.constant 208 : index
        %get3A_233 = tpu.vector_load %get3A_231[%get3A_232] {strides = array<i32>} : memref<256xf32, #tpu.memory_space<vmem>>, vector<16xf32>,
        %get3A_234 = vector.shape_cast %get3A_233 : vector<16xf32> to vector<16xf32>
        %mul3A_235 = arith.mulf %get3A_234, %get3A_45 : vector<16xf32>
        %get3A_236 = arith.constant 0 : i32
        %get3A_237 = tpu.memref_slice %arg7[%add3A_137, %get3A_236] : memref<128x256xf32, #tpu.memory_space<vmem>> -> memref<1x256xf32, #tpu.memory_space<vmem>>
        %get3A_238 = tpu.memref_squeeze %get3A_237 : memref<1x256xf32, #tpu.memory_space<vmem>> -> memref<256xf32, #tpu.memory_space<vmem>>
        %get3A_239 = arith.constant 224 : index
        %get3A_240 = tpu.vector_load %get3A_238[%get3A_239] {strides = array<i32>} : memref<256xf32, #tpu.memory_space<vmem>>, vector<16xf32>,
        %get3A_241 = vector.shape_cast %get3A_240 : vector<16xf32> to vector<16xf32>
        %mul3A_242 = arith.mulf %get3A_241, %get3A_48 : vector<16xf32>
        %get3A_243 = arith.constant 0 : i32
        %get3A_244 = tpu.memref_slice %arg7[%add3A_137, %get3A_243] : memref<128x256xf32, #tpu.memory_space<vmem>> -> memref<1x256xf32, #tpu.memory_space<vmem>>
        %get3A_245 = tpu.memref_squeeze %get3A_244 : memref<1x256xf32, #tpu.memory_space<vmem>> -> memref<256xf32, #tpu.memory_space<vmem>>
        %get3A_246 = arith.constant 240 : index
        %get3A_247 = tpu.vector_load %get3A_245[%get3A_246] {strides = array<i32>} : memref<256xf32, #tpu.memory_space<vmem>>, vector<16xf32>,
        %get3A_248 = vector.shape_cast %get3A_247 : vector<16xf32> to vector<16xf32>
        %mul3A_249 = arith.mulf %get3A_248, %get3A_51 : vector<16xf32>
        %add3A_250 = arith.addf %mul3A_144, %mul3A_151 : vector<16xf32>
        %add3A_251 = arith.addf %mul3A_158, %mul3A_165 : vector<16xf32>
        %add3A_252 = arith.addf %mul3A_172, %mul3A_179 : vector<16xf32>
        %add3A_253 = arith.addf %mul3A_186, %mul3A_193 : vector<16xf32>
        %add3A_254 = arith.addf %mul3A_200, %mul3A_207 : vector<16xf32>
        %add3A_255 = arith.addf %mul3A_214, %mul3A_221 : vector<16xf32>
        %add3A_256 = arith.addf %mul3A_228, %mul3A_235 : vector<16xf32>
        %add3A_257 = arith.addf %mul3A_242, %mul3A_249 : vector<16xf32>
        %add3A_258 = arith.addf %add3A_250, %add3A_251 : vector<16xf32>
        %add3A_259 = arith.addf %add3A_252, %add3A_253 : vector<16xf32>
        %add3A_260 = arith.addf %add3A_254, %add3A_255 : vector<16xf32>
        %add3A_261 = arith.addf %add3A_256, %add3A_257 : vector<16xf32>
        %add3A_262 = arith.addf %add3A_258, %add3A_259 : vector<16xf32>
        %add3A_263 = arith.addf %add3A_260, %add3A_261 : vector<16xf32>
        %add3A_264 = arith.addf %add3A_262, %add3A_263 : vector<16xf32>
        %slice3A = vector.extract_strided_slice %add3A_264 {offsets = [0], sizes = [1], strides = [1]} : vector<16xf32> to vector<1xf32>
        %squeeze3A = vector.extract %slice3A[0] : f32 from vector<1xf32>
        %slice3A_265 = vector.extract_strided_slice %add3A_264 {offsets = [1], sizes = [1], strides = [1]} : vector<16xf32> to vector<1xf32>
        %squeeze3A_266 = vector.extract %slice3A_265[0] : f32 from vector<1xf32>
        %slice3A_267 = vector.extract_strided_slice %add3A_264 {offsets = [2], sizes = [1], strides = [1]} : vector<16xf32> to vector<1xf32>
        %squeeze3A_268 = vector.extract %slice3A_267[0] : f32 from vector<1xf32>
        %slice3A_269 = vector.extract_strided_slice %add3A_264 {offsets = [3], sizes = [1], strides = [1]} : vector<16xf32> to vector<1xf32>
        %squeeze3A_270 = vector.extract %slice3A_269[0] : f32 from vector<1xf32>
        %slice3A_271 = vector.extract_strided_slice %add3A_264 {offsets = [4], sizes = [1], strides = [1]} : vector<16xf32> to vector<1xf32>
        %squeeze3A_272 = vector.extract %slice3A_271[0] : f32 from vector<1xf32>
        %slice3A_273 = vector.extract_strided_slice %add3A_264 {offsets = [5], sizes = [1], strides = [1]} : vector<16xf32> to vector<1xf32>
        %squeeze3A_274 = vector.extract %slice3A_273[0] : f32 from vector<1xf32>
        %slice3A_275 = vector.extract_strided_slice %add3A_264 {offsets = [6], sizes = [1], strides = [1]} : vector<16xf32> to vector<1xf32>
        %squeeze3A_276 = vector.extract %slice3A_275[0] : f32 from vector<1xf32>
        %slice3A_277 = vector.extract_strided_slice %add3A_264 {offsets = [7], sizes = [1], strides = [1]} : vector<16xf32> to vector<1xf32>
        %squeeze3A_278 = vector.extract %slice3A_277[0] : f32 from vector<1xf32>
        %slice3A_279 = vector.extract_strided_slice %add3A_264 {offsets = [8], sizes = [1], strides = [1]} : vector<16xf32> to vector<1xf32>
        %squeeze3A_280 = vector.extract %slice3A_279[0] : f32 from vector<1xf32>
        %slice3A_281 = vector.extract_strided_slice %add3A_264 {offsets = [9], sizes = [1], strides = [1]} : vector<16xf32> to vector<1xf32>
        %squeeze3A_282 = vector.extract %slice3A_281[0] : f32 from vector<1xf32>
        %slice3A_283 = vector.extract_strided_slice %add3A_264 {offsets = [10], sizes = [1], strides = [1]} : vector<16xf32> to vector<1xf32>
        %squeeze3A_284 = vector.extract %slice3A_283[0] : f32 from vector<1xf32>
        %slice3A_285 = vector.extract_strided_slice %add3A_264 {offsets = [11], sizes = [1], strides = [1]} : vector<16xf32> to vector<1xf32>
        %squeeze3A_286 = vector.extract %slice3A_285[0] : f32 from vector<1xf32>
        %slice3A_287 = vector.extract_strided_slice %add3A_264 {offsets = [12], sizes = [1], strides = [1]} : vector<16xf32> to vector<1xf32>
        %squeeze3A_288 = vector.extract %slice3A_287[0] : f32 from vector<1xf32>
        %slice3A_289 = vector.extract_strided_slice %add3A_264 {offsets = [13], sizes = [1], strides = [1]} : vector<16xf32> to vector<1xf32>
        %squeeze3A_290 = vector.extract %slice3A_289[0] : f32 from vector<1xf32>
        %slice3A_291 = vector.extract_strided_slice %add3A_264 {offsets = [14], sizes = [1], strides = [1]} : vector<16xf32> to vector<1xf32>
        %squeeze3A_292 = vector.extract %slice3A_291[0] : f32 from vector<1xf32>
        %slice3A_293 = vector.extract_strided_slice %add3A_264 {offsets = [15], sizes = [1], strides = [1]} : vector<16xf32> to vector<1xf32>
        %squeeze3A_294 = vector.extract %slice3A_293[0] : f32 from vector<1xf32>
        %add3A_295 = arith.addf %squeeze3A, %squeeze3A_266 : f32
        %add3A_296 = arith.addf %squeeze3A_268, %squeeze3A_270 : f32
        %add3A_297 = arith.addf %squeeze3A_272, %squeeze3A_274 : f32
        %add3A_298 = arith.addf %squeeze3A_276, %squeeze3A_278 : f32
        %add3A_299 = arith.addf %squeeze3A_280, %squeeze3A_282 : f32
        %add3A_300 = arith.addf %squeeze3A_284, %squeeze3A_286 : f32
        %add3A_301 = arith.addf %squeeze3A_288, %squeeze3A_290 : f32
        %add3A_302 = arith.addf %squeeze3A_292, %squeeze3A_294 : f32
        %add3A_303 = arith.addf %add3A_295, %add3A_296 : f32
        %add3A_304 = arith.addf %add3A_297, %add3A_298 : f32
        %add3A_305 = arith.addf %add3A_299, %add3A_300 : f32
        %add3A_306 = arith.addf %add3A_301, %add3A_302 : f32
        %add3A_307 = arith.addf %add3A_303, %add3A_304 : f32
        %add3A_308 = arith.addf %add3A_305, %add3A_306 : f32
        %add3A_309 = arith.addf %add3A_307, %add3A_308 : f32
        %gt3A = arith.cmpf ogt, %add3A_309, %scan3A_132 : f32
        %select_n3A = arith.select %gt3A, %add3A_309, %scan3A_132 : f32
        %add3A_310 = arith.addi %mul3A_98, %add3A_137 : i32
        %select_n3A_311 = arith.select %gt3A, %add3A_310, %scan3A_133 : i32
        %mul3A_312 = arith.constant 2 : i32
        %mul3A_313 = arith.muli %scan3A_131, %mul3A_312 : i32
        %add3A_314 = arith.constant 1 : i32
        %add3A_315 = arith.addi %mul3A_313, %add3A_314 : i32
        %get3A_316 = arith.constant 0 : i32
        %get3A_317 = tpu.memref_slice %arg7[%add3A_315, %get3A_316] : memref<128x256xf32, #tpu.memory_space<vmem>> -> memref<1x256xf32, #tpu.memory_space<vmem>>
        %get3A_318 = tpu.memref_squeeze %get3A_317 : memref<1x256xf32, #tpu.memory_space<vmem>> -> memref<256xf32, #tpu.memory_space<vmem>>
        %get3A_319 = arith.constant 0 : index
        %get3A_320 = tpu.vector_load %get3A_318[%get3A_319] {strides = array<i32>} : memref<256xf32, #tpu.memory_space<vmem>>, vector<16xf32>,
        %get3A_321 = vector.shape_cast %get3A_320 : vector<16xf32> to vector<16xf32>
        %mul3A_322 = arith.mulf %get3A_321, %get3A_6 : vector<16xf32>
        %get3A_323 = arith.constant 0 : i32
        %get3A_324 = tpu.memref_slice %arg7[%add3A_315, %get3A_323] : memref<128x256xf32, #tpu.memory_space<vmem>> -> memref<1x256xf32, #tpu.memory_space<vmem>>
        %get3A_325 = tpu.memref_squeeze %get3A_324 : memref<1x256xf32, #tpu.memory_space<vmem>> -> memref<256xf32, #tpu.memory_space<vmem>>
        %get3A_326 = arith.constant 16 : index
        %get3A_327 = tpu.vector_load %get3A_325[%get3A_326] {strides = array<i32>} : memref<256xf32, #tpu.memory_space<vmem>>, vector<16xf32>,
        %get3A_328 = vector.shape_cast %get3A_327 : vector<16xf32> to vector<16xf32>
        %mul3A_329 = arith.mulf %get3A_328, %get3A_9 : vector<16xf32>
        %get3A_330 = arith.constant 0 : i32
        %get3A_331 = tpu.memref_slice %arg7[%add3A_315, %get3A_330] : memref<128x256xf32, #tpu.memory_space<vmem>> -> memref<1x256xf32, #tpu.memory_space<vmem>>
        %get3A_332 = tpu.memref_squeeze %get3A_331 : memref<1x256xf32, #tpu.memory_space<vmem>> -> memref<256xf32, #tpu.memory_space<vmem>>
        %get3A_333 = arith.constant 32 : index
        %get3A_334 = tpu.vector_load %get3A_332[%get3A_333] {strides = array<i32>} : memref<256xf32, #tpu.memory_space<vmem>>, vector<16xf32>,
        %get3A_335 = vector.shape_cast %get3A_334 : vector<16xf32> to vector<16xf32>
        %mul3A_336 = arith.mulf %get3A_335, %get3A_12 : vector<16xf32>
        %get3A_337 = arith.constant 0 : i32
        %get3A_338 = tpu.memref_slice %arg7[%add3A_315, %get3A_337] : memref<128x256xf32, #tpu.memory_space<vmem>> -> memref<1x256xf32, #tpu.memory_space<vmem>>
        %get3A_339 = tpu.memref_squeeze %get3A_338 : memref<1x256xf32, #tpu.memory_space<vmem>> -> memref<256xf32, #tpu.memory_space<vmem>>
        %get3A_340 = arith.constant 48 : index
        %get3A_341 = tpu.vector_load %get3A_339[%get3A_340] {strides = array<i32>} : memref<256xf32, #tpu.memory_space<vmem>>, vector<16xf32>,
        %get3A_342 = vector.shape_cast %get3A_341 : vector<16xf32> to vector<16xf32>
        %mul3A_343 = arith.mulf %get3A_342, %get3A_15 : vector<16xf32>
        %get3A_344 = arith.constant 0 : i32
        %get3A_345 = tpu.memref_slice %arg7[%add3A_315, %get3A_344] : memref<128x256xf32, #tpu.memory_space<vmem>> -> memref<1x256xf32, #tpu.memory_space<vmem>>
        %get3A_346 = tpu.memref_squeeze %get3A_345 : memref<1x256xf32, #tpu.memory_space<vmem>> -> memref<256xf32, #tpu.memory_space<vmem>>
        %get3A_347 = arith.constant 64 : index
        %get3A_348 = tpu.vector_load %get3A_346[%get3A_347] {strides = array<i32>} : memref<256xf32, #tpu.memory_space<vmem>>, vector<16xf32>,
        %get3A_349 = vector.shape_cast %get3A_348 : vector<16xf32> to vector<16xf32>
        %mul3A_350 = arith.mulf %get3A_349, %get3A_18 : vector<16xf32>
        %get3A_351 = arith.constant 0 : i32
        %get3A_352 = tpu.memref_slice %arg7[%add3A_315, %get3A_351] : memref<128x256xf32, #tpu.memory_space<vmem>> -> memref<1x256xf32, #tpu.memory_space<vmem>>
        %get3A_353 = tpu.memref_squeeze %get3A_352 : memref<1x256xf32, #tpu.memory_space<vmem>> -> memref<256xf32, #tpu.memory_space<vmem>>
        %get3A_354 = arith.constant 80 : index
        %get3A_355 = tpu.vector_load %get3A_353[%get3A_354] {strides = array<i32>} : memref<256xf32, #tpu.memory_space<vmem>>, vector<16xf32>,
        %get3A_356 = vector.shape_cast %get3A_355 : vector<16xf32> to vector<16xf32>
        %mul3A_357 = arith.mulf %get3A_356, %get3A_21 : vector<16xf32>
        %get3A_358 = arith.constant 0 : i32
        %get3A_359 = tpu.memref_slice %arg7[%add3A_315, %get3A_358] : memref<128x256xf32, #tpu.memory_space<vmem>> -> memref<1x256xf32, #tpu.memory_space<vmem>>
        %get3A_360 = tpu.memref_squeeze %get3A_359 : memref<1x256xf32, #tpu.memory_space<vmem>> -> memref<256xf32, #tpu.memory_space<vmem>>
        %get3A_361 = arith.constant 96 : index
        %get3A_362 = tpu.vector_load %get3A_360[%get3A_361] {strides = array<i32>} : memref<256xf32, #tpu.memory_space<vmem>>, vector<16xf32>,
        %get3A_363 = vector.shape_cast %get3A_362 : vector<16xf32> to vector<16xf32>
        %mul3A_364 = arith.mulf %get3A_363, %get3A_24 : vector<16xf32>
        %get3A_365 = arith.constant 0 : i32
        %get3A_366 = tpu.memref_slice %arg7[%add3A_315, %get3A_365] : memref<128x256xf32, #tpu.memory_space<vmem>> -> memref<1x256xf32, #tpu.memory_space<vmem>>
        %get3A_367 = tpu.memref_squeeze %get3A_366 : memref<1x256xf32, #tpu.memory_space<vmem>> -> memref<256xf32, #tpu.memory_space<vmem>>
        %get3A_368 = arith.constant 112 : index
        %get3A_369 = tpu.vector_load %get3A_367[%get3A_368] {strides = array<i32>} : memref<256xf32, #tpu.memory_space<vmem>>, vector<16xf32>,
        %get3A_370 = vector.shape_cast %get3A_369 : vector<16xf32> to vector<16xf32>
        %mul3A_371 = arith.mulf %get3A_370, %get3A_27 : vector<16xf32>
        %get3A_372 = arith.constant 0 : i32
        %get3A_373 = tpu.memref_slice %arg7[%add3A_315, %get3A_372] : memref<128x256xf32, #tpu.memory_space<vmem>> -> memref<1x256xf32, #tpu.memory_space<vmem>>
        %get3A_374 = tpu.memref_squeeze %get3A_373 : memref<1x256xf32, #tpu.memory_space<vmem>> -> memref<256xf32, #tpu.memory_space<vmem>>
        %get3A_375 = arith.constant 128 : index
        %get3A_376 = tpu.vector_load %get3A_374[%get3A_375] {strides = array<i32>} : memref<256xf32, #tpu.memory_space<vmem>>, vector<16xf32>,
        %get3A_377 = vector.shape_cast %get3A_376 : vector<16xf32> to vector<16xf32>
        %mul3A_378 = arith.mulf %get3A_377, %get3A_30 : vector<16xf32>
        %get3A_379 = arith.constant 0 : i32
        %get3A_380 = tpu.memref_slice %arg7[%add3A_315, %get3A_379] : memref<128x256xf32, #tpu.memory_space<vmem>> -> memref<1x256xf32, #tpu.memory_space<vmem>>
        %get3A_381 = tpu.memref_squeeze %get3A_380 : memref<1x256xf32, #tpu.memory_space<vmem>> -> memref<256xf32, #tpu.memory_space<vmem>>
        %get3A_382 = arith.constant 144 : index
        %get3A_383 = tpu.vector_load %get3A_381[%get3A_382] {strides = array<i32>} : memref<256xf32, #tpu.memory_space<vmem>>, vector<16xf32>,
        %get3A_384 = vector.shape_cast %get3A_383 : vector<16xf32> to vector<16xf32>
        %mul3A_385 = arith.mulf %get3A_384, %get3A_33 : vector<16xf32>
        %get3A_386 = arith.constant 0 : i32
        %get3A_387 = tpu.memref_slice %arg7[%add3A_315, %get3A_386] : memref<128x256xf32, #tpu.memory_space<vmem>> -> memref<1x256xf32, #tpu.memory_space<vmem>>
        %get3A_388 = tpu.memref_squeeze %get3A_387 : memref<1x256xf32, #tpu.memory_space<vmem>> -> memref<256xf32, #tpu.memory_space<vmem>>
        %get3A_389 = arith.constant 160 : index
        %get3A_390 = tpu.vector_load %get3A_388[%get3A_389] {strides = array<i32>} : memref<256xf32, #tpu.memory_space<vmem>>, vector<16xf32>,
        %get3A_391 = vector.shape_cast %get3A_390 : vector<16xf32> to vector<16xf32>
        %mul3A_392 = arith.mulf %get3A_391, %get3A_36 : vector<16xf32>
        %get3A_393 = arith.constant 0 : i32
        %get3A_394 = tpu.memref_slice %arg7[%add3A_315, %get3A_393] : memref<128x256xf32, #tpu.memory_space<vmem>> -> memref<1x256xf32, #tpu.memory_space<vmem>>
        %get3A_395 = tpu.memref_squeeze %get3A_394 : memref<1x256xf32, #tpu.memory_space<vmem>> -> memref<256xf32, #tpu.memory_space<vmem>>
        %get3A_396 = arith.constant 176 : index
        %get3A_397 = tpu.vector_load %get3A_395[%get3A_396] {strides = array<i32>} : memref<256xf32, #tpu.memory_space<vmem>>, vector<16xf32>,
        %get3A_398 = vector.shape_cast %get3A_397 : vector<16xf32> to vector<16xf32>
        %mul3A_399 = arith.mulf %get3A_398, %get3A_39 : vector<16xf32>
        %get3A_400 = arith.constant 0 : i32
        %get3A_401 = tpu.memref_slice %arg7[%add3A_315, %get3A_400] : memref<128x256xf32, #tpu.memory_space<vmem>> -> memref<1x256xf32, #tpu.memory_space<vmem>>
        %get3A_402 = tpu.memref_squeeze %get3A_401 : memref<1x256xf32, #tpu.memory_space<vmem>> -> memref<256xf32, #tpu.memory_space<vmem>>
        %get3A_403 = arith.constant 192 : index
        %get3A_404 = tpu.vector_load %get3A_402[%get3A_403] {strides = array<i32>} : memref<256xf32, #tpu.memory_space<vmem>>, vector<16xf32>,
        %get3A_405 = vector.shape_cast %get3A_404 : vector<16xf32> to vector<16xf32>
        %mul3A_406 = arith.mulf %get3A_405, %get3A_42 : vector<16xf32>
        %get3A_407 = arith.constant 0 : i32
        %get3A_408 = tpu.memref_slice %arg7[%add3A_315, %get3A_407] : memref<128x256xf32, #tpu.memory_space<vmem>> -> memref<1x256xf32, #tpu.memory_space<vmem>>
        %get3A_409 = tpu.memref_squeeze %get3A_408 : memref<1x256xf32, #tpu.memory_space<vmem>> -> memref<256xf32, #tpu.memory_space<vmem>>
        %get3A_410 = arith.constant 208 : index
        %get3A_411 = tpu.vector_load %get3A_409[%get3A_410] {strides = array<i32>} : memref<256xf32, #tpu.memory_space<vmem>>, vector<16xf32>,
        %get3A_412 = vector.shape_cast %get3A_411 : vector<16xf32> to vector<16xf32>
        %mul3A_413 = arith.mulf %get3A_412, %get3A_45 : vector<16xf32>
        %get3A_414 = arith.constant 0 : i32
        %get3A_415 = tpu.memref_slice %arg7[%add3A_315, %get3A_414] : memref<128x256xf32, #tpu.memory_space<vmem>> -> memref<1x256xf32, #tpu.memory_space<vmem>>
        %get3A_416 = tpu.memref_squeeze %get3A_415 : memref<1x256xf32, #tpu.memory_space<vmem>> -> memref<256xf32, #tpu.memory_space<vmem>>
        %get3A_417 = arith.constant 224 : index
        %get3A_418 = tpu.vector_load %get3A_416[%get3A_417] {strides = array<i32>} : memref<256xf32, #tpu.memory_space<vmem>>, vector<16xf32>,
        %get3A_419 = vector.shape_cast %get3A_418 : vector<16xf32> to vector<16xf32>
        %mul3A_420 = arith.mulf %get3A_419, %get3A_48 : vector<16xf32>
        %get3A_421 = arith.constant 0 : i32
        %get3A_422 = tpu.memref_slice %arg7[%add3A_315, %get3A_421] : memref<128x256xf32, #tpu.memory_space<vmem>> -> memref<1x256xf32, #tpu.memory_space<vmem>>
        %get3A_423 = tpu.memref_squeeze %get3A_422 : memref<1x256xf32, #tpu.memory_space<vmem>> -> memref<256xf32, #tpu.memory_space<vmem>>
        %get3A_424 = arith.constant 240 : index
        %get3A_425 = tpu.vector_load %get3A_423[%get3A_424] {strides = array<i32>} : memref<256xf32, #tpu.memory_space<vmem>>, vector<16xf32>,
        %get3A_426 = vector.shape_cast %get3A_425 : vector<16xf32> to vector<16xf32>
        %mul3A_427 = arith.mulf %get3A_426, %get3A_51 : vector<16xf32>
        %add3A_428 = arith.addf %mul3A_322, %mul3A_329 : vector<16xf32>
        %add3A_429 = arith.addf %mul3A_336, %mul3A_343 : vector<16xf32>
        %add3A_430 = arith.addf %mul3A_350, %mul3A_357 : vector<16xf32>
        %add3A_431 = arith.addf %mul3A_364, %mul3A_371 : vector<16xf32>
        %add3A_432 = arith.addf %mul3A_378, %mul3A_385 : vector<16xf32>
        %add3A_433 = arith.addf %mul3A_392, %mul3A_399 : vector<16xf32>
        %add3A_434 = arith.addf %mul3A_406, %mul3A_413 : vector<16xf32>
        %add3A_435 = arith.addf %mul3A_420, %mul3A_427 : vector<16xf32>
        %add3A_436 = arith.addf %add3A_428, %add3A_429 : vector<16xf32>
        %add3A_437 = arith.addf %add3A_430, %add3A_431 : vector<16xf32>
        %add3A_438 = arith.addf %add3A_432, %add3A_433 : vector<16xf32>
        %add3A_439 = arith.addf %add3A_434, %add3A_435 : vector<16xf32>
        %add3A_440 = arith.addf %add3A_436, %add3A_437 : vector<16xf32>
        %add3A_441 = arith.addf %add3A_438, %add3A_439 : vector<16xf32>
        %add3A_442 = arith.addf %add3A_440, %add3A_441 : vector<16xf32>
        %slice3A_443 = vector.extract_strided_slice %add3A_442 {offsets = [0], sizes = [1], strides = [1]} : vector<16xf32> to vector<1xf32>
        %squeeze3A_444 = vector.extract %slice3A_443[0] : f32 from vector<1xf32>
        %slice3A_445 = vector.extract_strided_slice %add3A_442 {offsets = [1], sizes = [1], strides = [1]} : vector<16xf32> to vector<1xf32>
        %squeeze3A_446 = vector.extract %slice3A_445[0] : f32 from vector<1xf32>
        %slice3A_447 = vector.extract_strided_slice %add3A_442 {offsets = [2], sizes = [1], strides = [1]} : vector<16xf32> to vector<1xf32>
        %squeeze3A_448 = vector.extract %slice3A_447[0] : f32 from vector<1xf32>
        %slice3A_449 = vector.extract_strided_slice %add3A_442 {offsets = [3], sizes = [1], strides = [1]} : vector<16xf32> to vector<1xf32>
        %squeeze3A_450 = vector.extract %slice3A_449[0] : f32 from vector<1xf32>
        %slice3A_451 = vector.extract_strided_slice %add3A_442 {offsets = [4], sizes = [1], strides = [1]} : vector<16xf32> to vector<1xf32>
        %squeeze3A_452 = vector.extract %slice3A_451[0] : f32 from vector<1xf32>
        %slice3A_453 = vector.extract_strided_slice %add3A_442 {offsets = [5], sizes = [1], strides = [1]} : vector<16xf32> to vector<1xf32>
        %squeeze3A_454 = vector.extract %slice3A_453[0] : f32 from vector<1xf32>
        %slice3A_455 = vector.extract_strided_slice %add3A_442 {offsets = [6], sizes = [1], strides = [1]} : vector<16xf32> to vector<1xf32>
        %squeeze3A_456 = vector.extract %slice3A_455[0] : f32 from vector<1xf32>
        %slice3A_457 = vector.extract_strided_slice %add3A_442 {offsets = [7], sizes = [1], strides = [1]} : vector<16xf32> to vector<1xf32>
        %squeeze3A_458 = vector.extract %slice3A_457[0] : f32 from vector<1xf32>
        %slice3A_459 = vector.extract_strided_slice %add3A_442 {offsets = [8], sizes = [1], strides = [1]} : vector<16xf32> to vector<1xf32>
        %squeeze3A_460 = vector.extract %slice3A_459[0] : f32 from vector<1xf32>
        %slice3A_461 = vector.extract_strided_slice %add3A_442 {offsets = [9], sizes = [1], strides = [1]} : vector<16xf32> to vector<1xf32>
        %squeeze3A_462 = vector.extract %slice3A_461[0] : f32 from vector<1xf32>
        %slice3A_463 = vector.extract_strided_slice %add3A_442 {offsets = [10], sizes = [1], strides = [1]} : vector<16xf32> to vector<1xf32>
        %squeeze3A_464 = vector.extract %slice3A_463[0] : f32 from vector<1xf32>
        %slice3A_465 = vector.extract_strided_slice %add3A_442 {offsets = [11], sizes = [1], strides = [1]} : vector<16xf32> to vector<1xf32>
        %squeeze3A_466 = vector.extract %slice3A_465[0] : f32 from vector<1xf32>
        %slice3A_467 = vector.extract_strided_slice %add3A_442 {offsets = [12], sizes = [1], strides = [1]} : vector<16xf32> to vector<1xf32>
        %squeeze3A_468 = vector.extract %slice3A_467[0] : f32 from vector<1xf32>
        %slice3A_469 = vector.extract_strided_slice %add3A_442 {offsets = [13], sizes = [1], strides = [1]} : vector<16xf32> to vector<1xf32>
        %squeeze3A_470 = vector.extract %slice3A_469[0] : f32 from vector<1xf32>
        %slice3A_471 = vector.extract_strided_slice %add3A_442 {offsets = [14], sizes = [1], strides = [1]} : vector<16xf32> to vector<1xf32>
        %squeeze3A_472 = vector.extract %slice3A_471[0] : f32 from vector<1xf32>
        %slice3A_473 = vector.extract_strided_slice %add3A_442 {offsets = [15], sizes = [1], strides = [1]} : vector<16xf32> to vector<1xf32>
        %squeeze3A_474 = vector.extract %slice3A_473[0] : f32 from vector<1xf32>
        %add3A_475 = arith.addf %squeeze3A_444, %squeeze3A_446 : f32
        %add3A_476 = arith.addf %squeeze3A_448, %squeeze3A_450 : f32
        %add3A_477 = arith.addf %squeeze3A_452, %squeeze3A_454 : f32
        %add3A_478 = arith.addf %squeeze3A_456, %squeeze3A_458 : f32
        %add3A_479 = arith.addf %squeeze3A_460, %squeeze3A_462 : f32
        %add3A_480 = arith.addf %squeeze3A_464, %squeeze3A_466 : f32
        %add3A_481 = arith.addf %squeeze3A_468, %squeeze3A_470 : f32
        %add3A_482 = arith.addf %squeeze3A_472, %squeeze3A_474 : f32
        %add3A_483 = arith.addf %add3A_475, %add3A_476 : f32
        %add3A_484 = arith.addf %add3A_477, %add3A_478 : f32
        %add3A_485 = arith.addf %add3A_479, %add3A_480 : f32
        %add3A_486 = arith.addf %add3A_481, %add3A_482 : f32
        %add3A_487 = arith.addf %add3A_483, %add3A_484 : f32
        %add3A_488 = arith.addf %add3A_485, %add3A_486 : f32
        %add3A_489 = arith.addf %add3A_487, %add3A_488 : f32
        %gt3A_490 = arith.cmpf ogt, %add3A_489, %select_n3A : f32
        %select_n3A_491 = arith.select %gt3A_490, %add3A_489, %select_n3A : f32
        %add3A_492 = arith.addi %mul3A_98, %add3A_315 : i32
        %select_n3A_493 = arith.select %gt3A_490, %add3A_492, %select_n3A_311 : i32
        scf.yield %select_n3A_491, %select_n3A_493 : f32, i32
      }
      %scan3A_104 = arith.constant 64 : i32
      %lt3A = arith.constant 2 : i32
      %lt3A_105 = arith.cmpi slt, %scan3A_86, %lt3A : i32
      %convert_element_type3A = arith.extui %lt3A_105 : i1 to i32
      %cond3A = arith.constant 0 : i32
      %cond3A_106 = arith.cmpi ne, %convert_element_type3A, %cond3A : i32
      scf.if %cond3A_106 {
        %add3A_131 = arith.constant 1 : i32
        %add3A_132 = arith.addi %scan3A_86, %add3A_131 : i32
        %add3A_133 = arith.addi %add3A_4, %add3A_132 : i32
        %dma_start3A_134 = arith.constant 0 : i32
        %dma_start3A_135 = arith.constant 0 : i32
        %dma_start3A_136 = tpu.memref_slice %arg3[%add3A_133, %dma_start3A_134, %dma_start3A_135] : memref<256x256x256xf32, #tpu.memory_space<hbm>> -> memref<1x128x256xf32, #tpu.memory_space<hbm>>
        %dma_start3A_137 = tpu.memref_squeeze %dma_start3A_136 : memref<1x128x256xf32, #tpu.memory_space<hbm>> -> memref<128x256xf32, #tpu.memory_space<hbm>>
        %dma_start3A_138 = arith.constant 0 : i32
        %dma_start3A_139 = arith.constant 0 : i32
        %dma_start3A_140 = tpu.memref_slice %arg3[%add3A_133, %dma_start3A_138, %dma_start3A_139] : memref<256x256x256xf32, #tpu.memory_space<hbm>> -> memref<1x128x256xf32, #tpu.memory_space<hbm>>
        %dma_start3A_141 = tpu.memref_squeeze %dma_start3A_140 : memref<1x128x256xf32, #tpu.memory_space<hbm>> -> memref<128x256xf32, #tpu.memory_space<hbm>>
        tpu.enqueue_dma source(%dma_start3A_141 : memref<128x256xf32, #tpu.memory_space<hbm>>) target(%arg7 : memref<128x256xf32, #tpu.memory_space<vmem>>) target_semaphore(%arg11 : memref<!tpu.dma_semaphore, #tpu.memory_space<semaphore_mem>>)
      } else {
      }
      %dma_wait3A_107 = arith.constant 128 : i32
      %dma_wait3A_108 = arith.constant 0 : i32
      %dma_wait3A_109 = tpu.memref_slice %arg3[%add3A_62, %dma_wait3A_107, %dma_wait3A_108] : memref<256x256x256xf32, #tpu.memory_space<hbm>> -> memref<1x128x256xf32, #tpu.memory_space<hbm>>
      %dma_wait3A_110 = tpu.memref_squeeze %dma_wait3A_109 : memref<1x128x256xf32, #tpu.memory_space<hbm>> -> memref<128x256xf32, #tpu.memory_space<hbm>>
      %dma_wait3A_111 = arith.constant 128 : i32
      %dma_wait3A_112 = arith.constant 0 : i32
      %dma_wait3A_113 = tpu.memref_slice %arg3[%add3A_62, %dma_wait3A_111, %dma_wait3A_112] : memref<256x256x256xf32, #tpu.memory_space<hbm>> -> memref<1x128x256xf32, #tpu.memory_space<hbm>>
      %dma_wait3A_114 = tpu.memref_squeeze %dma_wait3A_113 : memref<1x128x256xf32, #tpu.memory_space<hbm>> -> memref<128x256xf32, #tpu.memory_space<hbm>>
      tpu.wait_dma2 semaphore(%arg12 : memref<!tpu.dma_semaphore, #tpu.memory_space<semaphore_mem>>) src(%dma_wait3A_114 : memref<128x256xf32, #tpu.memory_space<hbm>>) dst(%arg8 : memref<128x256xf32, #tpu.memory_space<vmem>>)
      %add3A_115 = arith.addi %add3A_4, %scan3A_86 : i32
      %mul3A_116 = arith.constant 256 : i32
      %mul3A_117 = arith.muli %add3A_115, %mul3A_116 : i32
      %add3A_118 = arith.constant 128 : i32
      %add3A_119 = arith.addi %mul3A_117, %add3A_118 : i32
      %scan3A_120 = arith.constant 0 : i32
      %scan3A_121 = arith.constant 64 : i32
      %scan3A_122 = arith.addi %scan3A_120, %scan3A_121 : i32
      %scan3A_123 = arith.constant 1 : i32
      %scan3A_124:2 = scf.for %scan3A_131 = %scan3A_120 to %scan3A_122 step %scan3A_123 iter_args(%scan3A_132 = %scan3A_103#0, %scan3A_133 = %scan3A_103#1) -> (f32, i32)  : i32 {
        %mul3A_134 = arith.constant 2 : i32
        %mul3A_135 = arith.muli %scan3A_131, %mul3A_134 : i32
        %add3A_136 = arith.constant 0 : i32
        %add3A_137 = arith.addi %mul3A_135, %add3A_136 : i32
        %get3A_138 = arith.constant 0 : i32
        %get3A_139 = tpu.memref_slice %arg8[%add3A_137, %get3A_138] : memref<128x256xf32, #tpu.memory_space<vmem>> -> memref<1x256xf32, #tpu.memory_space<vmem>>
        %get3A_140 = tpu.memref_squeeze %get3A_139 : memref<1x256xf32, #tpu.memory_space<vmem>> -> memref<256xf32, #tpu.memory_space<vmem>>
        %get3A_141 = arith.constant 0 : index
        %get3A_142 = tpu.vector_load %get3A_140[%get3A_141] {strides = array<i32>} : memref<256xf32, #tpu.memory_space<vmem>>, vector<16xf32>,
        %get3A_143 = vector.shape_cast %get3A_142 : vector<16xf32> to vector<16xf32>
        %mul3A_144 = arith.mulf %get3A_143, %get3A_6 : vector<16xf32>
        %get3A_145 = arith.constant 0 : i32
        %get3A_146 = tpu.memref_slice %arg8[%add3A_137, %get3A_145] : memref<128x256xf32, #tpu.memory_space<vmem>> -> memref<1x256xf32, #tpu.memory_space<vmem>>
        %get3A_147 = tpu.memref_squeeze %get3A_146 : memref<1x256xf32, #tpu.memory_space<vmem>> -> memref<256xf32, #tpu.memory_space<vmem>>
        %get3A_148 = arith.constant 16 : index
        %get3A_149 = tpu.vector_load %get3A_147[%get3A_148] {strides = array<i32>} : memref<256xf32, #tpu.memory_space<vmem>>, vector<16xf32>,
        %get3A_150 = vector.shape_cast %get3A_149 : vector<16xf32> to vector<16xf32>
        %mul3A_151 = arith.mulf %get3A_150, %get3A_9 : vector<16xf32>
        %get3A_152 = arith.constant 0 : i32
        %get3A_153 = tpu.memref_slice %arg8[%add3A_137, %get3A_152] : memref<128x256xf32, #tpu.memory_space<vmem>> -> memref<1x256xf32, #tpu.memory_space<vmem>>
        %get3A_154 = tpu.memref_squeeze %get3A_153 : memref<1x256xf32, #tpu.memory_space<vmem>> -> memref<256xf32, #tpu.memory_space<vmem>>
        %get3A_155 = arith.constant 32 : index
        %get3A_156 = tpu.vector_load %get3A_154[%get3A_155] {strides = array<i32>} : memref<256xf32, #tpu.memory_space<vmem>>, vector<16xf32>,
        %get3A_157 = vector.shape_cast %get3A_156 : vector<16xf32> to vector<16xf32>
        %mul3A_158 = arith.mulf %get3A_157, %get3A_12 : vector<16xf32>
        %get3A_159 = arith.constant 0 : i32
        %get3A_160 = tpu.memref_slice %arg8[%add3A_137, %get3A_159] : memref<128x256xf32, #tpu.memory_space<vmem>> -> memref<1x256xf32, #tpu.memory_space<vmem>>
        %get3A_161 = tpu.memref_squeeze %get3A_160 : memref<1x256xf32, #tpu.memory_space<vmem>> -> memref<256xf32, #tpu.memory_space<vmem>>
        %get3A_162 = arith.constant 48 : index
        %get3A_163 = tpu.vector_load %get3A_161[%get3A_162] {strides = array<i32>} : memref<256xf32, #tpu.memory_space<vmem>>, vector<16xf32>,
        %get3A_164 = vector.shape_cast %get3A_163 : vector<16xf32> to vector<16xf32>
        %mul3A_165 = arith.mulf %get3A_164, %get3A_15 : vector<16xf32>
        %get3A_166 = arith.constant 0 : i32
        %get3A_167 = tpu.memref_slice %arg8[%add3A_137, %get3A_166] : memref<128x256xf32, #tpu.memory_space<vmem>> -> memref<1x256xf32, #tpu.memory_space<vmem>>
        %get3A_168 = tpu.memref_squeeze %get3A_167 : memref<1x256xf32, #tpu.memory_space<vmem>> -> memref<256xf32, #tpu.memory_space<vmem>>
        %get3A_169 = arith.constant 64 : index
        %get3A_170 = tpu.vector_load %get3A_168[%get3A_169] {strides = array<i32>} : memref<256xf32, #tpu.memory_space<vmem>>, vector<16xf32>,
        %get3A_171 = vector.shape_cast %get3A_170 : vector<16xf32> to vector<16xf32>
        %mul3A_172 = arith.mulf %get3A_171, %get3A_18 : vector<16xf32>
        %get3A_173 = arith.constant 0 : i32
        %get3A_174 = tpu.memref_slice %arg8[%add3A_137, %get3A_173] : memref<128x256xf32, #tpu.memory_space<vmem>> -> memref<1x256xf32, #tpu.memory_space<vmem>>
        %get3A_175 = tpu.memref_squeeze %get3A_174 : memref<1x256xf32, #tpu.memory_space<vmem>> -> memref<256xf32, #tpu.memory_space<vmem>>
        %get3A_176 = arith.constant 80 : index
        %get3A_177 = tpu.vector_load %get3A_175[%get3A_176] {strides = array<i32>} : memref<256xf32, #tpu.memory_space<vmem>>, vector<16xf32>,
        %get3A_178 = vector.shape_cast %get3A_177 : vector<16xf32> to vector<16xf32>
        %mul3A_179 = arith.mulf %get3A_178, %get3A_21 : vector<16xf32>
        %get3A_180 = arith.constant 0 : i32
        %get3A_181 = tpu.memref_slice %arg8[%add3A_137, %get3A_180] : memref<128x256xf32, #tpu.memory_space<vmem>> -> memref<1x256xf32, #tpu.memory_space<vmem>>
        %get3A_182 = tpu.memref_squeeze %get3A_181 : memref<1x256xf32, #tpu.memory_space<vmem>> -> memref<256xf32, #tpu.memory_space<vmem>>
        %get3A_183 = arith.constant 96 : index
        %get3A_184 = tpu.vector_load %get3A_182[%get3A_183] {strides = array<i32>} : memref<256xf32, #tpu.memory_space<vmem>>, vector<16xf32>,
        %get3A_185 = vector.shape_cast %get3A_184 : vector<16xf32> to vector<16xf32>
        %mul3A_186 = arith.mulf %get3A_185, %get3A_24 : vector<16xf32>
        %get3A_187 = arith.constant 0 : i32
        %get3A_188 = tpu.memref_slice %arg8[%add3A_137, %get3A_187] : memref<128x256xf32, #tpu.memory_space<vmem>> -> memref<1x256xf32, #tpu.memory_space<vmem>>
        %get3A_189 = tpu.memref_squeeze %get3A_188 : memref<1x256xf32, #tpu.memory_space<vmem>> -> memref<256xf32, #tpu.memory_space<vmem>>
        %get3A_190 = arith.constant 112 : index
        %get3A_191 = tpu.vector_load %get3A_189[%get3A_190] {strides = array<i32>} : memref<256xf32, #tpu.memory_space<vmem>>, vector<16xf32>,
        %get3A_192 = vector.shape_cast %get3A_191 : vector<16xf32> to vector<16xf32>
        %mul3A_193 = arith.mulf %get3A_192, %get3A_27 : vector<16xf32>
        %get3A_194 = arith.constant 0 : i32
        %get3A_195 = tpu.memref_slice %arg8[%add3A_137, %get3A_194] : memref<128x256xf32, #tpu.memory_space<vmem>> -> memref<1x256xf32, #tpu.memory_space<vmem>>
        %get3A_196 = tpu.memref_squeeze %get3A_195 : memref<1x256xf32, #tpu.memory_space<vmem>> -> memref<256xf32, #tpu.memory_space<vmem>>
        %get3A_197 = arith.constant 128 : index
        %get3A_198 = tpu.vector_load %get3A_196[%get3A_197] {strides = array<i32>} : memref<256xf32, #tpu.memory_space<vmem>>, vector<16xf32>,
        %get3A_199 = vector.shape_cast %get3A_198 : vector<16xf32> to vector<16xf32>
        %mul3A_200 = arith.mulf %get3A_199, %get3A_30 : vector<16xf32>
        %get3A_201 = arith.constant 0 : i32
        %get3A_202 = tpu.memref_slice %arg8[%add3A_137, %get3A_201] : memref<128x256xf32, #tpu.memory_space<vmem>> -> memref<1x256xf32, #tpu.memory_space<vmem>>
        %get3A_203 = tpu.memref_squeeze %get3A_202 : memref<1x256xf32, #tpu.memory_space<vmem>> -> memref<256xf32, #tpu.memory_space<vmem>>
        %get3A_204 = arith.constant 144 : index
        %get3A_205 = tpu.vector_load %get3A_203[%get3A_204] {strides = array<i32>} : memref<256xf32, #tpu.memory_space<vmem>>, vector<16xf32>,
        %get3A_206 = vector.shape_cast %get3A_205 : vector<16xf32> to vector<16xf32>
        %mul3A_207 = arith.mulf %get3A_206, %get3A_33 : vector<16xf32>
        %get3A_208 = arith.constant 0 : i32
        %get3A_209 = tpu.memref_slice %arg8[%add3A_137, %get3A_208] : memref<128x256xf32, #tpu.memory_space<vmem>> -> memref<1x256xf32, #tpu.memory_space<vmem>>
        %get3A_210 = tpu.memref_squeeze %get3A_209 : memref<1x256xf32, #tpu.memory_space<vmem>> -> memref<256xf32, #tpu.memory_space<vmem>>
        %get3A_211 = arith.constant 160 : index
        %get3A_212 = tpu.vector_load %get3A_210[%get3A_211] {strides = array<i32>} : memref<256xf32, #tpu.memory_space<vmem>>, vector<16xf32>,
        %get3A_213 = vector.shape_cast %get3A_212 : vector<16xf32> to vector<16xf32>
        %mul3A_214 = arith.mulf %get3A_213, %get3A_36 : vector<16xf32>
        %get3A_215 = arith.constant 0 : i32
        %get3A_216 = tpu.memref_slice %arg8[%add3A_137, %get3A_215] : memref<128x256xf32, #tpu.memory_space<vmem>> -> memref<1x256xf32, #tpu.memory_space<vmem>>
        %get3A_217 = tpu.memref_squeeze %get3A_216 : memref<1x256xf32, #tpu.memory_space<vmem>> -> memref<256xf32, #tpu.memory_space<vmem>>
        %get3A_218 = arith.constant 176 : index
        %get3A_219 = tpu.vector_load %get3A_217[%get3A_218] {strides = array<i32>} : memref<256xf32, #tpu.memory_space<vmem>>, vector<16xf32>,
        %get3A_220 = vector.shape_cast %get3A_219 : vector<16xf32> to vector<16xf32>
        %mul3A_221 = arith.mulf %get3A_220, %get3A_39 : vector<16xf32>
        %get3A_222 = arith.constant 0 : i32
        %get3A_223 = tpu.memref_slice %arg8[%add3A_137, %get3A_222] : memref<128x256xf32, #tpu.memory_space<vmem>> -> memref<1x256xf32, #tpu.memory_space<vmem>>
        %get3A_224 = tpu.memref_squeeze %get3A_223 : memref<1x256xf32, #tpu.memory_space<vmem>> -> memref<256xf32, #tpu.memory_space<vmem>>
        %get3A_225 = arith.constant 192 : index
        %get3A_226 = tpu.vector_load %get3A_224[%get3A_225] {strides = array<i32>} : memref<256xf32, #tpu.memory_space<vmem>>, vector<16xf32>,
        %get3A_227 = vector.shape_cast %get3A_226 : vector<16xf32> to vector<16xf32>
        %mul3A_228 = arith.mulf %get3A_227, %get3A_42 : vector<16xf32>
        %get3A_229 = arith.constant 0 : i32
        %get3A_230 = tpu.memref_slice %arg8[%add3A_137, %get3A_229] : memref<128x256xf32, #tpu.memory_space<vmem>> -> memref<1x256xf32, #tpu.memory_space<vmem>>
        %get3A_231 = tpu.memref_squeeze %get3A_230 : memref<1x256xf32, #tpu.memory_space<vmem>> -> memref<256xf32, #tpu.memory_space<vmem>>
        %get3A_232 = arith.constant 208 : index
        %get3A_233 = tpu.vector_load %get3A_231[%get3A_232] {strides = array<i32>} : memref<256xf32, #tpu.memory_space<vmem>>, vector<16xf32>,
        %get3A_234 = vector.shape_cast %get3A_233 : vector<16xf32> to vector<16xf32>
        %mul3A_235 = arith.mulf %get3A_234, %get3A_45 : vector<16xf32>
        %get3A_236 = arith.constant 0 : i32
        %get3A_237 = tpu.memref_slice %arg8[%add3A_137, %get3A_236] : memref<128x256xf32, #tpu.memory_space<vmem>> -> memref<1x256xf32, #tpu.memory_space<vmem>>
        %get3A_238 = tpu.memref_squeeze %get3A_237 : memref<1x256xf32, #tpu.memory_space<vmem>> -> memref<256xf32, #tpu.memory_space<vmem>>
        %get3A_239 = arith.constant 224 : index
        %get3A_240 = tpu.vector_load %get3A_238[%get3A_239] {strides = array<i32>} : memref<256xf32, #tpu.memory_space<vmem>>, vector<16xf32>,
        %get3A_241 = vector.shape_cast %get3A_240 : vector<16xf32> to vector<16xf32>
        %mul3A_242 = arith.mulf %get3A_241, %get3A_48 : vector<16xf32>
        %get3A_243 = arith.constant 0 : i32
        %get3A_244 = tpu.memref_slice %arg8[%add3A_137, %get3A_243] : memref<128x256xf32, #tpu.memory_space<vmem>> -> memref<1x256xf32, #tpu.memory_space<vmem>>
        %get3A_245 = tpu.memref_squeeze %get3A_244 : memref<1x256xf32, #tpu.memory_space<vmem>> -> memref<256xf32, #tpu.memory_space<vmem>>
        %get3A_246 = arith.constant 240 : index
        %get3A_247 = tpu.vector_load %get3A_245[%get3A_246] {strides = array<i32>} : memref<256xf32, #tpu.memory_space<vmem>>, vector<16xf32>,
        %get3A_248 = vector.shape_cast %get3A_247 : vector<16xf32> to vector<16xf32>
        %mul3A_249 = arith.mulf %get3A_248, %get3A_51 : vector<16xf32>
        %add3A_250 = arith.addf %mul3A_144, %mul3A_151 : vector<16xf32>
        %add3A_251 = arith.addf %mul3A_158, %mul3A_165 : vector<16xf32>
        %add3A_252 = arith.addf %mul3A_172, %mul3A_179 : vector<16xf32>
        %add3A_253 = arith.addf %mul3A_186, %mul3A_193 : vector<16xf32>
        %add3A_254 = arith.addf %mul3A_200, %mul3A_207 : vector<16xf32>
        %add3A_255 = arith.addf %mul3A_214, %mul3A_221 : vector<16xf32>
        %add3A_256 = arith.addf %mul3A_228, %mul3A_235 : vector<16xf32>
        %add3A_257 = arith.addf %mul3A_242, %mul3A_249 : vector<16xf32>
        %add3A_258 = arith.addf %add3A_250, %add3A_251 : vector<16xf32>
        %add3A_259 = arith.addf %add3A_252, %add3A_253 : vector<16xf32>
        %add3A_260 = arith.addf %add3A_254, %add3A_255 : vector<16xf32>
        %add3A_261 = arith.addf %add3A_256, %add3A_257 : vector<16xf32>
        %add3A_262 = arith.addf %add3A_258, %add3A_259 : vector<16xf32>
        %add3A_263 = arith.addf %add3A_260, %add3A_261 : vector<16xf32>
        %add3A_264 = arith.addf %add3A_262, %add3A_263 : vector<16xf32>
        %slice3A = vector.extract_strided_slice %add3A_264 {offsets = [0], sizes = [1], strides = [1]} : vector<16xf32> to vector<1xf32>
        %squeeze3A = vector.extract %slice3A[0] : f32 from vector<1xf32>
        %slice3A_265 = vector.extract_strided_slice %add3A_264 {offsets = [1], sizes = [1], strides = [1]} : vector<16xf32> to vector<1xf32>
        %squeeze3A_266 = vector.extract %slice3A_265[0] : f32 from vector<1xf32>
        %slice3A_267 = vector.extract_strided_slice %add3A_264 {offsets = [2], sizes = [1], strides = [1]} : vector<16xf32> to vector<1xf32>
        %squeeze3A_268 = vector.extract %slice3A_267[0] : f32 from vector<1xf32>
        %slice3A_269 = vector.extract_strided_slice %add3A_264 {offsets = [3], sizes = [1], strides = [1]} : vector<16xf32> to vector<1xf32>
        %squeeze3A_270 = vector.extract %slice3A_269[0] : f32 from vector<1xf32>
        %slice3A_271 = vector.extract_strided_slice %add3A_264 {offsets = [4], sizes = [1], strides = [1]} : vector<16xf32> to vector<1xf32>
        %squeeze3A_272 = vector.extract %slice3A_271[0] : f32 from vector<1xf32>
        %slice3A_273 = vector.extract_strided_slice %add3A_264 {offsets = [5], sizes = [1], strides = [1]} : vector<16xf32> to vector<1xf32>
        %squeeze3A_274 = vector.extract %slice3A_273[0] : f32 from vector<1xf32>
        %slice3A_275 = vector.extract_strided_slice %add3A_264 {offsets = [6], sizes = [1], strides = [1]} : vector<16xf32> to vector<1xf32>
        %squeeze3A_276 = vector.extract %slice3A_275[0] : f32 from vector<1xf32>
        %slice3A_277 = vector.extract_strided_slice %add3A_264 {offsets = [7], sizes = [1], strides = [1]} : vector<16xf32> to vector<1xf32>
        %squeeze3A_278 = vector.extract %slice3A_277[0] : f32 from vector<1xf32>
        %slice3A_279 = vector.extract_strided_slice %add3A_264 {offsets = [8], sizes = [1], strides = [1]} : vector<16xf32> to vector<1xf32>
        %squeeze3A_280 = vector.extract %slice3A_279[0] : f32 from vector<1xf32>
        %slice3A_281 = vector.extract_strided_slice %add3A_264 {offsets = [9], sizes = [1], strides = [1]} : vector<16xf32> to vector<1xf32>
        %squeeze3A_282 = vector.extract %slice3A_281[0] : f32 from vector<1xf32>
        %slice3A_283 = vector.extract_strided_slice %add3A_264 {offsets = [10], sizes = [1], strides = [1]} : vector<16xf32> to vector<1xf32>
        %squeeze3A_284 = vector.extract %slice3A_283[0] : f32 from vector<1xf32>
        %slice3A_285 = vector.extract_strided_slice %add3A_264 {offsets = [11], sizes = [1], strides = [1]} : vector<16xf32> to vector<1xf32>
        %squeeze3A_286 = vector.extract %slice3A_285[0] : f32 from vector<1xf32>
        %slice3A_287 = vector.extract_strided_slice %add3A_264 {offsets = [12], sizes = [1], strides = [1]} : vector<16xf32> to vector<1xf32>
        %squeeze3A_288 = vector.extract %slice3A_287[0] : f32 from vector<1xf32>
        %slice3A_289 = vector.extract_strided_slice %add3A_264 {offsets = [13], sizes = [1], strides = [1]} : vector<16xf32> to vector<1xf32>
        %squeeze3A_290 = vector.extract %slice3A_289[0] : f32 from vector<1xf32>
        %slice3A_291 = vector.extract_strided_slice %add3A_264 {offsets = [14], sizes = [1], strides = [1]} : vector<16xf32> to vector<1xf32>
        %squeeze3A_292 = vector.extract %slice3A_291[0] : f32 from vector<1xf32>
        %slice3A_293 = vector.extract_strided_slice %add3A_264 {offsets = [15], sizes = [1], strides = [1]} : vector<16xf32> to vector<1xf32>
        %squeeze3A_294 = vector.extract %slice3A_293[0] : f32 from vector<1xf32>
        %add3A_295 = arith.addf %squeeze3A, %squeeze3A_266 : f32
        %add3A_296 = arith.addf %squeeze3A_268, %squeeze3A_270 : f32
        %add3A_297 = arith.addf %squeeze3A_272, %squeeze3A_274 : f32
        %add3A_298 = arith.addf %squeeze3A_276, %squeeze3A_278 : f32
        %add3A_299 = arith.addf %squeeze3A_280, %squeeze3A_282 : f32
        %add3A_300 = arith.addf %squeeze3A_284, %squeeze3A_286 : f32
        %add3A_301 = arith.addf %squeeze3A_288, %squeeze3A_290 : f32
        %add3A_302 = arith.addf %squeeze3A_292, %squeeze3A_294 : f32
        %add3A_303 = arith.addf %add3A_295, %add3A_296 : f32
        %add3A_304 = arith.addf %add3A_297, %add3A_298 : f32
        %add3A_305 = arith.addf %add3A_299, %add3A_300 : f32
        %add3A_306 = arith.addf %add3A_301, %add3A_302 : f32
        %add3A_307 = arith.addf %add3A_303, %add3A_304 : f32
        %add3A_308 = arith.addf %add3A_305, %add3A_306 : f32
        %add3A_309 = arith.addf %add3A_307, %add3A_308 : f32
        %gt3A = arith.cmpf ogt, %add3A_309, %scan3A_132 : f32
        %select_n3A = arith.select %gt3A, %add3A_309, %scan3A_132 : f32
        %add3A_310 = arith.addi %add3A_119, %add3A_137 : i32
        %select_n3A_311 = arith.select %gt3A, %add3A_310, %scan3A_133 : i32
        %mul3A_312 = arith.constant 2 : i32
        %mul3A_313 = arith.muli %scan3A_131, %mul3A_312 : i32
        %add3A_314 = arith.constant 1 : i32
        %add3A_315 = arith.addi %mul3A_313, %add3A_314 : i32
        %get3A_316 = arith.constant 0 : i32
        %get3A_317 = tpu.memref_slice %arg8[%add3A_315, %get3A_316] : memref<128x256xf32, #tpu.memory_space<vmem>> -> memref<1x256xf32, #tpu.memory_space<vmem>>
        %get3A_318 = tpu.memref_squeeze %get3A_317 : memref<1x256xf32, #tpu.memory_space<vmem>> -> memref<256xf32, #tpu.memory_space<vmem>>
        %get3A_319 = arith.constant 0 : index
        %get3A_320 = tpu.vector_load %get3A_318[%get3A_319] {strides = array<i32>} : memref<256xf32, #tpu.memory_space<vmem>>, vector<16xf32>,
        %get3A_321 = vector.shape_cast %get3A_320 : vector<16xf32> to vector<16xf32>
        %mul3A_322 = arith.mulf %get3A_321, %get3A_6 : vector<16xf32>
        %get3A_323 = arith.constant 0 : i32
        %get3A_324 = tpu.memref_slice %arg8[%add3A_315, %get3A_323] : memref<128x256xf32, #tpu.memory_space<vmem>> -> memref<1x256xf32, #tpu.memory_space<vmem>>
        %get3A_325 = tpu.memref_squeeze %get3A_324 : memref<1x256xf32, #tpu.memory_space<vmem>> -> memref<256xf32, #tpu.memory_space<vmem>>
        %get3A_326 = arith.constant 16 : index
        %get3A_327 = tpu.vector_load %get3A_325[%get3A_326] {strides = array<i32>} : memref<256xf32, #tpu.memory_space<vmem>>, vector<16xf32>,
        %get3A_328 = vector.shape_cast %get3A_327 : vector<16xf32> to vector<16xf32>
        %mul3A_329 = arith.mulf %get3A_328, %get3A_9 : vector<16xf32>
        %get3A_330 = arith.constant 0 : i32
        %get3A_331 = tpu.memref_slice %arg8[%add3A_315, %get3A_330] : memref<128x256xf32, #tpu.memory_space<vmem>> -> memref<1x256xf32, #tpu.memory_space<vmem>>
        %get3A_332 = tpu.memref_squeeze %get3A_331 : memref<1x256xf32, #tpu.memory_space<vmem>> -> memref<256xf32, #tpu.memory_space<vmem>>
        %get3A_333 = arith.constant 32 : index
        %get3A_334 = tpu.vector_load %get3A_332[%get3A_333] {strides = array<i32>} : memref<256xf32, #tpu.memory_space<vmem>>, vector<16xf32>,
        %get3A_335 = vector.shape_cast %get3A_334 : vector<16xf32> to vector<16xf32>
        %mul3A_336 = arith.mulf %get3A_335, %get3A_12 : vector<16xf32>
        %get3A_337 = arith.constant 0 : i32
        %get3A_338 = tpu.memref_slice %arg8[%add3A_315, %get3A_337] : memref<128x256xf32, #tpu.memory_space<vmem>> -> memref<1x256xf32, #tpu.memory_space<vmem>>
        %get3A_339 = tpu.memref_squeeze %get3A_338 : memref<1x256xf32, #tpu.memory_space<vmem>> -> memref<256xf32, #tpu.memory_space<vmem>>
        %get3A_340 = arith.constant 48 : index
        %get3A_341 = tpu.vector_load %get3A_339[%get3A_340] {strides = array<i32>} : memref<256xf32, #tpu.memory_space<vmem>>, vector<16xf32>,
        %get3A_342 = vector.shape_cast %get3A_341 : vector<16xf32> to vector<16xf32>
        %mul3A_343 = arith.mulf %get3A_342, %get3A_15 : vector<16xf32>
        %get3A_344 = arith.constant 0 : i32
        %get3A_345 = tpu.memref_slice %arg8[%add3A_315, %get3A_344] : memref<128x256xf32, #tpu.memory_space<vmem>> -> memref<1x256xf32, #tpu.memory_space<vmem>>
        %get3A_346 = tpu.memref_squeeze %get3A_345 : memref<1x256xf32, #tpu.memory_space<vmem>> -> memref<256xf32, #tpu.memory_space<vmem>>
        %get3A_347 = arith.constant 64 : index
        %get3A_348 = tpu.vector_load %get3A_346[%get3A_347] {strides = array<i32>} : memref<256xf32, #tpu.memory_space<vmem>>, vector<16xf32>,
        %get3A_349 = vector.shape_cast %get3A_348 : vector<16xf32> to vector<16xf32>
        %mul3A_350 = arith.mulf %get3A_349, %get3A_18 : vector<16xf32>
        %get3A_351 = arith.constant 0 : i32
        %get3A_352 = tpu.memref_slice %arg8[%add3A_315, %get3A_351] : memref<128x256xf32, #tpu.memory_space<vmem>> -> memref<1x256xf32, #tpu.memory_space<vmem>>
        %get3A_353 = tpu.memref_squeeze %get3A_352 : memref<1x256xf32, #tpu.memory_space<vmem>> -> memref<256xf32, #tpu.memory_space<vmem>>
        %get3A_354 = arith.constant 80 : index
        %get3A_355 = tpu.vector_load %get3A_353[%get3A_354] {strides = array<i32>} : memref<256xf32, #tpu.memory_space<vmem>>, vector<16xf32>,
        %get3A_356 = vector.shape_cast %get3A_355 : vector<16xf32> to vector<16xf32>
        %mul3A_357 = arith.mulf %get3A_356, %get3A_21 : vector<16xf32>
        %get3A_358 = arith.constant 0 : i32
        %get3A_359 = tpu.memref_slice %arg8[%add3A_315, %get3A_358] : memref<128x256xf32, #tpu.memory_space<vmem>> -> memref<1x256xf32, #tpu.memory_space<vmem>>
        %get3A_360 = tpu.memref_squeeze %get3A_359 : memref<1x256xf32, #tpu.memory_space<vmem>> -> memref<256xf32, #tpu.memory_space<vmem>>
        %get3A_361 = arith.constant 96 : index
        %get3A_362 = tpu.vector_load %get3A_360[%get3A_361] {strides = array<i32>} : memref<256xf32, #tpu.memory_space<vmem>>, vector<16xf32>,
        %get3A_363 = vector.shape_cast %get3A_362 : vector<16xf32> to vector<16xf32>
        %mul3A_364 = arith.mulf %get3A_363, %get3A_24 : vector<16xf32>
        %get3A_365 = arith.constant 0 : i32
        %get3A_366 = tpu.memref_slice %arg8[%add3A_315, %get3A_365] : memref<128x256xf32, #tpu.memory_space<vmem>> -> memref<1x256xf32, #tpu.memory_space<vmem>>
        %get3A_367 = tpu.memref_squeeze %get3A_366 : memref<1x256xf32, #tpu.memory_space<vmem>> -> memref<256xf32, #tpu.memory_space<vmem>>
        %get3A_368 = arith.constant 112 : index
        %get3A_369 = tpu.vector_load %get3A_367[%get3A_368] {strides = array<i32>} : memref<256xf32, #tpu.memory_space<vmem>>, vector<16xf32>,
        %get3A_370 = vector.shape_cast %get3A_369 : vector<16xf32> to vector<16xf32>
        %mul3A_371 = arith.mulf %get3A_370, %get3A_27 : vector<16xf32>
        %get3A_372 = arith.constant 0 : i32
        %get3A_373 = tpu.memref_slice %arg8[%add3A_315, %get3A_372] : memref<128x256xf32, #tpu.memory_space<vmem>> -> memref<1x256xf32, #tpu.memory_space<vmem>>
        %get3A_374 = tpu.memref_squeeze %get3A_373 : memref<1x256xf32, #tpu.memory_space<vmem>> -> memref<256xf32, #tpu.memory_space<vmem>>
        %get3A_375 = arith.constant 128 : index
        %get3A_376 = tpu.vector_load %get3A_374[%get3A_375] {strides = array<i32>} : memref<256xf32, #tpu.memory_space<vmem>>, vector<16xf32>,
        %get3A_377 = vector.shape_cast %get3A_376 : vector<16xf32> to vector<16xf32>
        %mul3A_378 = arith.mulf %get3A_377, %get3A_30 : vector<16xf32>
        %get3A_379 = arith.constant 0 : i32
        %get3A_380 = tpu.memref_slice %arg8[%add3A_315, %get3A_379] : memref<128x256xf32, #tpu.memory_space<vmem>> -> memref<1x256xf32, #tpu.memory_space<vmem>>
        %get3A_381 = tpu.memref_squeeze %get3A_380 : memref<1x256xf32, #tpu.memory_space<vmem>> -> memref<256xf32, #tpu.memory_space<vmem>>
        %get3A_382 = arith.constant 144 : index
        %get3A_383 = tpu.vector_load %get3A_381[%get3A_382] {strides = array<i32>} : memref<256xf32, #tpu.memory_space<vmem>>, vector<16xf32>,
        %get3A_384 = vector.shape_cast %get3A_383 : vector<16xf32> to vector<16xf32>
        %mul3A_385 = arith.mulf %get3A_384, %get3A_33 : vector<16xf32>
        %get3A_386 = arith.constant 0 : i32
        %get3A_387 = tpu.memref_slice %arg8[%add3A_315, %get3A_386] : memref<128x256xf32, #tpu.memory_space<vmem>> -> memref<1x256xf32, #tpu.memory_space<vmem>>
        %get3A_388 = tpu.memref_squeeze %get3A_387 : memref<1x256xf32, #tpu.memory_space<vmem>> -> memref<256xf32, #tpu.memory_space<vmem>>
        %get3A_389 = arith.constant 160 : index
        %get3A_390 = tpu.vector_load %get3A_388[%get3A_389] {strides = array<i32>} : memref<256xf32, #tpu.memory_space<vmem>>, vector<16xf32>,
        %get3A_391 = vector.shape_cast %get3A_390 : vector<16xf32> to vector<16xf32>
        %mul3A_392 = arith.mulf %get3A_391, %get3A_36 : vector<16xf32>
        %get3A_393 = arith.constant 0 : i32
        %get3A_394 = tpu.memref_slice %arg8[%add3A_315, %get3A_393] : memref<128x256xf32, #tpu.memory_space<vmem>> -> memref<1x256xf32, #tpu.memory_space<vmem>>
        %get3A_395 = tpu.memref_squeeze %get3A_394 : memref<1x256xf32, #tpu.memory_space<vmem>> -> memref<256xf32, #tpu.memory_space<vmem>>
        %get3A_396 = arith.constant 176 : index
        %get3A_397 = tpu.vector_load %get3A_395[%get3A_396] {strides = array<i32>} : memref<256xf32, #tpu.memory_space<vmem>>, vector<16xf32>,
        %get3A_398 = vector.shape_cast %get3A_397 : vector<16xf32> to vector<16xf32>
        %mul3A_399 = arith.mulf %get3A_398, %get3A_39 : vector<16xf32>
        %get3A_400 = arith.constant 0 : i32
        %get3A_401 = tpu.memref_slice %arg8[%add3A_315, %get3A_400] : memref<128x256xf32, #tpu.memory_space<vmem>> -> memref<1x256xf32, #tpu.memory_space<vmem>>
        %get3A_402 = tpu.memref_squeeze %get3A_401 : memref<1x256xf32, #tpu.memory_space<vmem>> -> memref<256xf32, #tpu.memory_space<vmem>>
        %get3A_403 = arith.constant 192 : index
        %get3A_404 = tpu.vector_load %get3A_402[%get3A_403] {strides = array<i32>} : memref<256xf32, #tpu.memory_space<vmem>>, vector<16xf32>,
        %get3A_405 = vector.shape_cast %get3A_404 : vector<16xf32> to vector<16xf32>
        %mul3A_406 = arith.mulf %get3A_405, %get3A_42 : vector<16xf32>
        %get3A_407 = arith.constant 0 : i32
        %get3A_408 = tpu.memref_slice %arg8[%add3A_315, %get3A_407] : memref<128x256xf32, #tpu.memory_space<vmem>> -> memref<1x256xf32, #tpu.memory_space<vmem>>
        %get3A_409 = tpu.memref_squeeze %get3A_408 : memref<1x256xf32, #tpu.memory_space<vmem>> -> memref<256xf32, #tpu.memory_space<vmem>>
        %get3A_410 = arith.constant 208 : index
        %get3A_411 = tpu.vector_load %get3A_409[%get3A_410] {strides = array<i32>} : memref<256xf32, #tpu.memory_space<vmem>>, vector<16xf32>,
        %get3A_412 = vector.shape_cast %get3A_411 : vector<16xf32> to vector<16xf32>
        %mul3A_413 = arith.mulf %get3A_412, %get3A_45 : vector<16xf32>
        %get3A_414 = arith.constant 0 : i32
        %get3A_415 = tpu.memref_slice %arg8[%add3A_315, %get3A_414] : memref<128x256xf32, #tpu.memory_space<vmem>> -> memref<1x256xf32, #tpu.memory_space<vmem>>
        %get3A_416 = tpu.memref_squeeze %get3A_415 : memref<1x256xf32, #tpu.memory_space<vmem>> -> memref<256xf32, #tpu.memory_space<vmem>>
        %get3A_417 = arith.constant 224 : index
        %get3A_418 = tpu.vector_load %get3A_416[%get3A_417] {strides = array<i32>} : memref<256xf32, #tpu.memory_space<vmem>>, vector<16xf32>,
        %get3A_419 = vector.shape_cast %get3A_418 : vector<16xf32> to vector<16xf32>
        %mul3A_420 = arith.mulf %get3A_419, %get3A_48 : vector<16xf32>
        %get3A_421 = arith.constant 0 : i32
        %get3A_422 = tpu.memref_slice %arg8[%add3A_315, %get3A_421] : memref<128x256xf32, #tpu.memory_space<vmem>> -> memref<1x256xf32, #tpu.memory_space<vmem>>
        %get3A_423 = tpu.memref_squeeze %get3A_422 : memref<1x256xf32, #tpu.memory_space<vmem>> -> memref<256xf32, #tpu.memory_space<vmem>>
        %get3A_424 = arith.constant 240 : index
        %get3A_425 = tpu.vector_load %get3A_423[%get3A_424] {strides = array<i32>} : memref<256xf32, #tpu.memory_space<vmem>>, vector<16xf32>,
        %get3A_426 = vector.shape_cast %get3A_425 : vector<16xf32> to vector<16xf32>
        %mul3A_427 = arith.mulf %get3A_426, %get3A_51 : vector<16xf32>
        %add3A_428 = arith.addf %mul3A_322, %mul3A_329 : vector<16xf32>
        %add3A_429 = arith.addf %mul3A_336, %mul3A_343 : vector<16xf32>
        %add3A_430 = arith.addf %mul3A_350, %mul3A_357 : vector<16xf32>
        %add3A_431 = arith.addf %mul3A_364, %mul3A_371 : vector<16xf32>
        %add3A_432 = arith.addf %mul3A_378, %mul3A_385 : vector<16xf32>
        %add3A_433 = arith.addf %mul3A_392, %mul3A_399 : vector<16xf32>
        %add3A_434 = arith.addf %mul3A_406, %mul3A_413 : vector<16xf32>
        %add3A_435 = arith.addf %mul3A_420, %mul3A_427 : vector<16xf32>
        %add3A_436 = arith.addf %add3A_428, %add3A_429 : vector<16xf32>
        %add3A_437 = arith.addf %add3A_430, %add3A_431 : vector<16xf32>
        %add3A_438 = arith.addf %add3A_432, %add3A_433 : vector<16xf32>
        %add3A_439 = arith.addf %add3A_434, %add3A_435 : vector<16xf32>
        %add3A_440 = arith.addf %add3A_436, %add3A_437 : vector<16xf32>
        %add3A_441 = arith.addf %add3A_438, %add3A_439 : vector<16xf32>
        %add3A_442 = arith.addf %add3A_440, %add3A_441 : vector<16xf32>
        %slice3A_443 = vector.extract_strided_slice %add3A_442 {offsets = [0], sizes = [1], strides = [1]} : vector<16xf32> to vector<1xf32>
        %squeeze3A_444 = vector.extract %slice3A_443[0] : f32 from vector<1xf32>
        %slice3A_445 = vector.extract_strided_slice %add3A_442 {offsets = [1], sizes = [1], strides = [1]} : vector<16xf32> to vector<1xf32>
        %squeeze3A_446 = vector.extract %slice3A_445[0] : f32 from vector<1xf32>
        %slice3A_447 = vector.extract_strided_slice %add3A_442 {offsets = [2], sizes = [1], strides = [1]} : vector<16xf32> to vector<1xf32>
        %squeeze3A_448 = vector.extract %slice3A_447[0] : f32 from vector<1xf32>
        %slice3A_449 = vector.extract_strided_slice %add3A_442 {offsets = [3], sizes = [1], strides = [1]} : vector<16xf32> to vector<1xf32>
        %squeeze3A_450 = vector.extract %slice3A_449[0] : f32 from vector<1xf32>
        %slice3A_451 = vector.extract_strided_slice %add3A_442 {offsets = [4], sizes = [1], strides = [1]} : vector<16xf32> to vector<1xf32>
        %squeeze3A_452 = vector.extract %slice3A_451[0] : f32 from vector<1xf32>
        %slice3A_453 = vector.extract_strided_slice %add3A_442 {offsets = [5], sizes = [1], strides = [1]} : vector<16xf32> to vector<1xf32>
        %squeeze3A_454 = vector.extract %slice3A_453[0] : f32 from vector<1xf32>
        %slice3A_455 = vector.extract_strided_slice %add3A_442 {offsets = [6], sizes = [1], strides = [1]} : vector<16xf32> to vector<1xf32>
        %squeeze3A_456 = vector.extract %slice3A_455[0] : f32 from vector<1xf32>
        %slice3A_457 = vector.extract_strided_slice %add3A_442 {offsets = [7], sizes = [1], strides = [1]} : vector<16xf32> to vector<1xf32>
        %squeeze3A_458 = vector.extract %slice3A_457[0] : f32 from vector<1xf32>
        %slice3A_459 = vector.extract_strided_slice %add3A_442 {offsets = [8], sizes = [1], strides = [1]} : vector<16xf32> to vector<1xf32>
        %squeeze3A_460 = vector.extract %slice3A_459[0] : f32 from vector<1xf32>
        %slice3A_461 = vector.extract_strided_slice %add3A_442 {offsets = [9], sizes = [1], strides = [1]} : vector<16xf32> to vector<1xf32>
        %squeeze3A_462 = vector.extract %slice3A_461[0] : f32 from vector<1xf32>
        %slice3A_463 = vector.extract_strided_slice %add3A_442 {offsets = [10], sizes = [1], strides = [1]} : vector<16xf32> to vector<1xf32>
        %squeeze3A_464 = vector.extract %slice3A_463[0] : f32 from vector<1xf32>
        %slice3A_465 = vector.extract_strided_slice %add3A_442 {offsets = [11], sizes = [1], strides = [1]} : vector<16xf32> to vector<1xf32>
        %squeeze3A_466 = vector.extract %slice3A_465[0] : f32 from vector<1xf32>
        %slice3A_467 = vector.extract_strided_slice %add3A_442 {offsets = [12], sizes = [1], strides = [1]} : vector<16xf32> to vector<1xf32>
        %squeeze3A_468 = vector.extract %slice3A_467[0] : f32 from vector<1xf32>
        %slice3A_469 = vector.extract_strided_slice %add3A_442 {offsets = [13], sizes = [1], strides = [1]} : vector<16xf32> to vector<1xf32>
        %squeeze3A_470 = vector.extract %slice3A_469[0] : f32 from vector<1xf32>
        %slice3A_471 = vector.extract_strided_slice %add3A_442 {offsets = [14], sizes = [1], strides = [1]} : vector<16xf32> to vector<1xf32>
        %squeeze3A_472 = vector.extract %slice3A_471[0] : f32 from vector<1xf32>
        %slice3A_473 = vector.extract_strided_slice %add3A_442 {offsets = [15], sizes = [1], strides = [1]} : vector<16xf32> to vector<1xf32>
        %squeeze3A_474 = vector.extract %slice3A_473[0] : f32 from vector<1xf32>
        %add3A_475 = arith.addf %squeeze3A_444, %squeeze3A_446 : f32
        %add3A_476 = arith.addf %squeeze3A_448, %squeeze3A_450 : f32
        %add3A_477 = arith.addf %squeeze3A_452, %squeeze3A_454 : f32
        %add3A_478 = arith.addf %squeeze3A_456, %squeeze3A_458 : f32
        %add3A_479 = arith.addf %squeeze3A_460, %squeeze3A_462 : f32
        %add3A_480 = arith.addf %squeeze3A_464, %squeeze3A_466 : f32
        %add3A_481 = arith.addf %squeeze3A_468, %squeeze3A_470 : f32
        %add3A_482 = arith.addf %squeeze3A_472, %squeeze3A_474 : f32
        %add3A_483 = arith.addf %add3A_475, %add3A_476 : f32
        %add3A_484 = arith.addf %add3A_477, %add3A_478 : f32
        %add3A_485 = arith.addf %add3A_479, %add3A_480 : f32
        %add3A_486 = arith.addf %add3A_481, %add3A_482 : f32
        %add3A_487 = arith.addf %add3A_483, %add3A_484 : f32
        %add3A_488 = arith.addf %add3A_485, %add3A_486 : f32
        %add3A_489 = arith.addf %add3A_487, %add3A_488 : f32
        %gt3A_490 = arith.cmpf ogt, %add3A_489, %select_n3A : f32
        %select_n3A_491 = arith.select %gt3A_490, %add3A_489, %select_n3A : f32
        %add3A_492 = arith.addi %add3A_119, %add3A_315 : i32
        %select_n3A_493 = arith.select %gt3A_490, %add3A_492, %select_n3A_311 : i32
        scf.yield %select_n3A_491, %select_n3A_493 : f32, i32
      }
      %scan3A_125 = arith.constant 64 : i32
      %lt3A_126 = arith.constant 2 : i32
      %lt3A_127 = arith.cmpi slt, %scan3A_86, %lt3A_126 : i32
      %convert_element_type3A_128 = arith.extui %lt3A_127 : i1 to i32
      %cond3A_129 = arith.constant 0 : i32
      %cond3A_130 = arith.cmpi ne, %convert_element_type3A_128, %cond3A_129 : i32
      scf.if %cond3A_130 {
        %add3A_131 = arith.constant 1 : i32
        %add3A_132 = arith.addi %scan3A_86, %add3A_131 : i32
        %add3A_133 = arith.addi %add3A_4, %add3A_132 : i32
        %dma_start3A_134 = arith.constant 128 : i32
        %dma_start3A_135 = arith.constant 0 : i32
        %dma_start3A_136 = tpu.memref_slice %arg3[%add3A_133, %dma_start3A_134, %dma_start3A_135] : memref<256x256x256xf32, #tpu.memory_space<hbm>> -> memref<1x128x256xf32, #tpu.memory_space<hbm>>
        %dma_start3A_137 = tpu.memref_squeeze %dma_start3A_136 : memref<1x128x256xf32, #tpu.memory_space<hbm>> -> memref<128x256xf32, #tpu.memory_space<hbm>>
        %dma_start3A_138 = arith.constant 128 : i32
        %dma_start3A_139 = arith.constant 0 : i32
        %dma_start3A_140 = tpu.memref_slice %arg3[%add3A_133, %dma_start3A_138, %dma_start3A_139] : memref<256x256x256xf32, #tpu.memory_space<hbm>> -> memref<1x128x256xf32, #tpu.memory_space<hbm>>
        %dma_start3A_141 = tpu.memref_squeeze %dma_start3A_140 : memref<1x128x256xf32, #tpu.memory_space<hbm>> -> memref<128x256xf32, #tpu.memory_space<hbm>>
        tpu.enqueue_dma source(%dma_start3A_141 : memref<128x256xf32, #tpu.memory_space<hbm>>) target(%arg8 : memref<128x256xf32, #tpu.memory_space<vmem>>) target_semaphore(%arg12 : memref<!tpu.dma_semaphore, #tpu.memory_space<semaphore_mem>>)
      } else {
      }
      scf.yield %scan3A_124#0, %scan3A_124#1 : f32, i32
    }
    %scan3A_77 = arith.constant 3 : i32
    %broadcast_in_dim3A = vector.broadcast %scan3A_76#0 : f32 to vector<16xf32>
    %swap3A = arith.constant 0 : index
    %swap3A_78 = tpu.vector_load %arg9[%swap3A] {strides = array<i32>} : memref<16xf32, #tpu.memory_space<vmem>>, vector<16xf32>,
    %swap3A_79 = vector.shape_cast %swap3A_78 : vector<16xf32> to vector<16xf32>
    %swap3A_80 = vector.shape_cast %broadcast_in_dim3A : vector<16xf32> to vector<16xf32>
    tpu.vector_store %arg9[%swap3A], %swap3A_80 {strides = array<i32>} : memref<16xf32, #tpu.memory_space<vmem>>, vector<16xf32>,
    %broadcast_in_dim3A_81 = vector.broadcast %scan3A_76#1 : i32 to vector<16xi32>
    %swap3A_82 = arith.constant 0 : index
    %swap3A_83 = tpu.vector_load %arg10[%swap3A_82] {strides = array<i32>} : memref<16xi32, #tpu.memory_space<vmem>>, vector<16xi32>,
    %swap3A_84 = vector.shape_cast %swap3A_83 : vector<16xi32> to vector<16xi32>
    %swap3A_85 = vector.shape_cast %broadcast_in_dim3A_81 : vector<16xi32> to vector<16xi32>
    tpu.vector_store %arg10[%swap3A_82], %swap3A_85 {strides = array<i32>} : memref<16xi32, #tpu.memory_space<vmem>>, vector<16xi32>,
    "tpu.region"() ({
      %run_scoped3A = tpu.sem_alloc : memref<!tpu.dma_semaphore, #tpu.memory_space<semaphore_mem>>
      %dma_start3A_86 = arith.constant 0 : i32
      %dma_start3A_87 = tpu.memref_slice %arg4[%add3A, %dma_start3A_86] : memref<32x16xf32, #tpu.memory_space<hbm>> -> memref<1x16xf32, #tpu.memory_space<hbm>>
      %dma_start3A_88 = tpu.memref_squeeze %dma_start3A_87 : memref<1x16xf32, #tpu.memory_space<hbm>> -> memref<16xf32, #tpu.memory_space<hbm>>
      %dma_start3A_89 = arith.constant 0 : i32
      %dma_start3A_90 = tpu.memref_slice %arg4[%add3A, %dma_start3A_89] : memref<32x16xf32, #tpu.memory_space<hbm>> -> memref<1x16xf32, #tpu.memory_space<hbm>>
      %dma_start3A_91 = tpu.memref_squeeze %dma_start3A_90 : memref<1x16xf32, #tpu.memory_space<hbm>> -> memref<16xf32, #tpu.memory_space<hbm>>
      tpu.enqueue_dma source(%arg9 : memref<16xf32, #tpu.memory_space<vmem>>) target(%dma_start3A_91 : memref<16xf32, #tpu.memory_space<hbm>>) target_semaphore(%run_scoped3A : memref<!tpu.dma_semaphore, #tpu.memory_space<semaphore_mem>>)
      %dma_wait3A = arith.constant 0 : i32
      %dma_wait3A_92 = tpu.memref_slice %arg4[%add3A, %dma_wait3A] : memref<32x16xf32, #tpu.memory_space<hbm>> -> memref<1x16xf32, #tpu.memory_space<hbm>>
      %dma_wait3A_93 = tpu.memref_squeeze %dma_wait3A_92 : memref<1x16xf32, #tpu.memory_space<hbm>> -> memref<16xf32, #tpu.memory_space<hbm>>
      %dma_wait3A_94 = arith.constant 0 : i32
      %dma_wait3A_95 = tpu.memref_slice %arg4[%add3A, %dma_wait3A_94] : memref<32x16xf32, #tpu.memory_space<hbm>> -> memref<1x16xf32, #tpu.memory_space<hbm>>
      %dma_wait3A_96 = tpu.memref_squeeze %dma_wait3A_95 : memref<1x16xf32, #tpu.memory_space<hbm>> -> memref<16xf32, #tpu.memory_space<hbm>>
      tpu.wait_dma2 semaphore(%run_scoped3A : memref<!tpu.dma_semaphore, #tpu.memory_space<semaphore_mem>>) src(%arg9 : memref<16xf32, #tpu.memory_space<vmem>>) dst(%dma_wait3A_96 : memref<16xf32, #tpu.memory_space<hbm>>)
      tpu.yield
    }) : () -> ()
    "tpu.region"() ({
      %run_scoped3A = tpu.sem_alloc : memref<!tpu.dma_semaphore, #tpu.memory_space<semaphore_mem>>
      %dma_start3A_86 = arith.constant 0 : i32
      %dma_start3A_87 = tpu.memref_slice %arg5[%add3A, %dma_start3A_86] : memref<32x16xi32, #tpu.memory_space<hbm>> -> memref<1x16xi32, #tpu.memory_space<hbm>>
      %dma_start3A_88 = tpu.memref_squeeze %dma_start3A_87 : memref<1x16xi32, #tpu.memory_space<hbm>> -> memref<16xi32, #tpu.memory_space<hbm>>
      %dma_start3A_89 = arith.constant 0 : i32
      %dma_start3A_90 = tpu.memref_slice %arg5[%add3A, %dma_start3A_89] : memref<32x16xi32, #tpu.memory_space<hbm>> -> memref<1x16xi32, #tpu.memory_space<hbm>>
      %dma_start3A_91 = tpu.memref_squeeze %dma_start3A_90 : memref<1x16xi32, #tpu.memory_space<hbm>> -> memref<16xi32, #tpu.memory_space<hbm>>
      tpu.enqueue_dma source(%arg10 : memref<16xi32, #tpu.memory_space<vmem>>) target(%dma_start3A_91 : memref<16xi32, #tpu.memory_space<hbm>>) target_semaphore(%run_scoped3A : memref<!tpu.dma_semaphore, #tpu.memory_space<semaphore_mem>>)
      %dma_wait3A = arith.constant 0 : i32
      %dma_wait3A_92 = tpu.memref_slice %arg5[%add3A, %dma_wait3A] : memref<32x16xi32, #tpu.memory_space<hbm>> -> memref<1x16xi32, #tpu.memory_space<hbm>>
      %dma_wait3A_93 = tpu.memref_squeeze %dma_wait3A_92 : memref<1x16xi32, #tpu.memory_space<hbm>> -> memref<16xi32, #tpu.memory_space<hbm>>
      %dma_wait3A_94 = arith.constant 0 : i32
      %dma_wait3A_95 = tpu.memref_slice %arg5[%add3A, %dma_wait3A_94] : memref<32x16xi32, #tpu.memory_space<hbm>> -> memref<1x16xi32, #tpu.memory_space<hbm>>
      %dma_wait3A_96 = tpu.memref_squeeze %dma_wait3A_95 : memref<1x16xi32, #tpu.memory_space<hbm>> -> memref<16xi32, #tpu.memory_space<hbm>>
      tpu.wait_dma2 semaphore(%run_scoped3A : memref<!tpu.dma_semaphore, #tpu.memory_space<semaphore_mem>>) src(%arg10 : memref<16xi32, #tpu.memory_space<vmem>>) dst(%dma_wait3A_96 : memref<16xi32, #tpu.memory_space<hbm>>)
      tpu.yield
    }) : () -> ()
    return
  }
}

module attributes {stable_mosaic.version = 14 : i64} {
  func.func @_combine_body(%arg0: memref<1x1xf32, #tpu.memory_space<smem>>, %arg1: memref<1x1xf32, #tpu.memory_space<smem>>, %arg2: memref<1x1xi32, #tpu.memory_space<smem>>, %arg3: memref<32x16xf32, #tpu.memory_space<vmem>>, %arg4: memref<32x16xi32, #tpu.memory_space<vmem>>, %arg5: memref<256x256xf32, #tpu.memory_space<vmem>>) attributes {dimension_semantics = [], scalar_prefetch = 0 : i64, scratch_operands = 0 : i64, tpu.core_type = #tpu.core_type<tc>} {
    %get3A = arith.constant 0 : index
    %get3A_0 = arith.constant 0 : index
    %get3A_1 = vector.load %arg3[%get3A, %get3A_0] : memref<32x16xf32, #tpu.memory_space<vmem>>, vector<32x16xf32>
    %get3A_2 = arith.constant 0 : index
    %get3A_3 = arith.constant 0 : index
    %get3A_4 = vector.load %arg4[%get3A_2, %get3A_3] : memref<32x16xi32, #tpu.memory_space<vmem>>, vector<32x16xi32>
    %reduce_max3A = vector.shape_cast %get3A_1 : vector<32x16xf32> to vector<1x32x16xf32>
    %reduce_max3A_5 = arith.constant dense<0xFF800000> : vector<1xf32>
    %reduce_max3A_6 = vector.multi_reduction <maximumf>, %reduce_max3A, %reduce_max3A_5 [1, 2] : vector<1x32x16xf32> to vector<1xf32>
    %reduce_max3A_7 = vector.shape_cast %reduce_max3A_6 : vector<1xf32> to vector<1x1x1xf32>
    %reduce_max3A_8 = vector.extract %reduce_max3A_7[0, 0, 0] : f32 from vector<1x1x1xf32>
    %eq3A = vector.broadcast %reduce_max3A_8 : f32 to vector<32x16xf32>
    %eq3A_9 = arith.cmpf oeq, %get3A_1, %eq3A : vector<32x16xf32>
    %jit3A = arith.constant 1073741824 : i32
    %broadcast_in_dim3A = vector.broadcast %jit3A : i32 to vector<32x16xi32>
    %select_n3A = arith.select %eq3A_9, %get3A_4, %broadcast_in_dim3A : vector<32x16xi1>, vector<32x16xi32>
    %reduce_min3A = vector.shape_cast %select_n3A : vector<32x16xi32> to vector<1x32x16xi32>
    %reduce_min3A_10 = arith.constant dense<2147483647> : vector<1xi32>
    %reduce_min3A_11 = vector.multi_reduction <minsi>, %reduce_min3A, %reduce_min3A_10 [1, 2] : vector<1x32x16xi32> to vector<1xi32>
    %reduce_min3A_12 = vector.shape_cast %reduce_min3A_11 : vector<1xi32> to vector<1x1x1xi32>
    %reduce_min3A_13 = vector.extract %reduce_min3A_12[0, 0, 0] : i32 from vector<1x1x1xi32>
    %get3A_14 = arith.constant 0 : index
    %get3A_15 = arith.constant 0 : index
    %get3A_16 = memref.load %arg1[%get3A_14, %get3A_15] : memref<1x1xf32, #tpu.memory_space<smem>>
    %ge3A = arith.cmpf oge, %get3A_16, %reduce_max3A_8 : f32
    %get3A_17 = arith.constant 0 : index
    %get3A_18 = arith.constant 0 : index
    %get3A_19 = memref.load %arg2[%get3A_17, %get3A_18] : memref<1x1xi32, #tpu.memory_space<smem>>
    %select_n3A_20 = arith.select %ge3A, %get3A_19, %reduce_min3A_13 : i32
    %jit3A_21 = arith.constant 256 : i32
    %div3A = arith.divsi %select_n3A_20, %jit3A_21 : i32
    %sign3A = arith.constant 0 : i32
    %sign3A_22 = arith.cmpi sgt, %select_n3A_20, %sign3A : i32
    %sign3A_23 = arith.extui %sign3A_22 : i1 to i32
    %sign3A_24 = arith.constant 0 : i32
    %sign3A_25 = arith.cmpi slt, %select_n3A_20, %sign3A_24 : i32
    %sign3A_26 = arith.extui %sign3A_25 : i1 to i32
    %sign3A_27 = arith.subi %sign3A_23, %sign3A_26 : i32
    %sign3A_28 = arith.constant 0 : i32
    %sign3A_29 = arith.cmpi sgt, %jit3A_21, %sign3A_28 : i32
    %sign3A_30 = arith.extui %sign3A_29 : i1 to i32
    %sign3A_31 = arith.constant 0 : i32
    %sign3A_32 = arith.cmpi slt, %jit3A_21, %sign3A_31 : i32
    %sign3A_33 = arith.extui %sign3A_32 : i1 to i32
    %sign3A_34 = arith.subi %sign3A_30, %sign3A_33 : i32
    %ne3A = arith.cmpi ne, %sign3A_27, %sign3A_34 : i32
    %rem3A = arith.remsi %select_n3A_20, %jit3A_21 : i32
    %ne3A_35 = arith.constant 0 : i32
    %ne3A_36 = arith.cmpi ne, %rem3A, %ne3A_35 : i32
    %and3A = arith.andi %ne3A, %ne3A_36 : i1
    %sub3A = arith.constant 1 : i32
    %sub3A_37 = arith.subi %div3A, %sub3A : i32
    %select_n3A_38 = arith.select %and3A, %sub3A_37, %div3A : i32
    %convert_element_type3A = arith.sitofp %select_n3A_38 : i32 to f32
    %jit3A_39 = arith.constant 256 : i32
    %eq3A_40 = arith.constant 0 : i32
    %eq3A_41 = arith.cmpi eq, %jit3A_39, %eq3A_40 : i32
    %jit3A_42 = arith.constant 1 : i32
    %select_n3A_43 = arith.select %eq3A_41, %jit3A_42, %jit3A_39 : i32
    %rem3A_44 = arith.remsi %select_n3A_20, %select_n3A_43 : i32
    %ne3A_45 = arith.constant 0 : i32
    %ne3A_46 = arith.cmpi ne, %rem3A_44, %ne3A_45 : i32
    %lt3A = arith.constant 0 : i32
    %lt3A_47 = arith.cmpi slt, %rem3A_44, %lt3A : i32
    %lt3A_48 = arith.constant 0 : i32
    %lt3A_49 = arith.cmpi slt, %select_n3A_43, %lt3A_48 : i32
    %ne3A_50 = arith.xori %lt3A_47, %lt3A_49 : i1
    %and3A_51 = arith.andi %ne3A_50, %ne3A_46 : i1
    %add3A = arith.addi %rem3A_44, %select_n3A_43 : i32
    %select_n3A_52 = arith.select %and3A_51, %add3A, %rem3A_44 : i32
    %convert_element_type3A_53 = arith.sitofp %select_n3A_52 : i32 to f32
    %get3A_54 = arith.constant 0 : index
    %get3A_55 = arith.constant 0 : index
    %get3A_56 = memref.load %arg0[%get3A_54, %get3A_55] : memref<1x1xf32, #tpu.memory_space<smem>>
    %broadcast_in_dim3A_57 = vector.broadcast %get3A_56 : f32 to vector<256x256xf32>
    %neg3A = arith.constant 0.000000e+00 : f32
    %neg3A_58 = vector.broadcast %neg3A : f32 to vector<256x256xf32>
    %neg3A_59 = arith.subf %neg3A_58, %broadcast_in_dim3A_57 : vector<256x256xf32>
    %div3A_60 = arith.constant -4.481420e+03 : f32
    %div3A_61 = vector.broadcast %div3A_60 : f32 to vector<256x256xf32>
    %div3A_62 = arith.divf %neg3A_59, %div3A_61 : vector<256x256xf32>
    %exp3A = math.exp %div3A_62 : vector<256x256xf32>
    %mul3A = arith.constant 8.000000e-01 : f32
    %mul3A_63 = vector.broadcast %mul3A : f32 to vector<256x256xf32>
    %mul3A_64 = arith.mulf %mul3A_63, %exp3A : vector<256x256xf32>
    %mul3A_65 = arith.constant 2.000000e+00 : f32
    %mul3A_66 = vector.broadcast %mul3A_65 : f32 to vector<256x256xf32>
    %mul3A_67 = arith.mulf %mul3A_66, %mul3A_64 : vector<256x256xf32>
    %mul3A_68 = arith.mulf %mul3A_67, %mul3A_64 : vector<256x256xf32>
    %iota3A = tpu.iota {dimensions = array<i32: 0>} : vector<256x256xi32>
    %convert_element_type3A_69 = arith.sitofp %iota3A : vector<256x256xi32> to vector<256x256xf32>
    %iota3A_70 = tpu.iota {dimensions = array<i32: 1>} : vector<256x256xi32>
    %convert_element_type3A_71 = arith.sitofp %iota3A_70 : vector<256x256xi32> to vector<256x256xf32>
    %sub3A_72 = vector.broadcast %convert_element_type3A : f32 to vector<256x256xf32>
    %sub3A_73 = arith.subf %convert_element_type3A_69, %sub3A_72 : vector<256x256xf32>
    %integer_pow3A = arith.mulf %sub3A_73, %sub3A_73 : vector<256x256xf32>
    %div3A_74 = arith.divf %integer_pow3A, %mul3A_68 : vector<256x256xf32>
    %neg3A_75 = arith.constant 0.000000e+00 : f32
    %neg3A_76 = vector.broadcast %neg3A_75 : f32 to vector<256x256xf32>
    %neg3A_77 = arith.subf %neg3A_76, %div3A_74 : vector<256x256xf32>
    %exp3A_78 = math.exp %neg3A_77 : vector<256x256xf32>
    %sub3A_79 = vector.broadcast %convert_element_type3A_53 : f32 to vector<256x256xf32>
    %sub3A_80 = arith.subf %convert_element_type3A_71, %sub3A_79 : vector<256x256xf32>
    %integer_pow3A_81 = arith.mulf %sub3A_80, %sub3A_80 : vector<256x256xf32>
    %div3A_82 = arith.divf %integer_pow3A_81, %mul3A_68 : vector<256x256xf32>
    %neg3A_83 = arith.constant 0.000000e+00 : f32
    %neg3A_84 = vector.broadcast %neg3A_83 : f32 to vector<256x256xf32>
    %neg3A_85 = arith.subf %neg3A_84, %div3A_82 : vector<256x256xf32>
    %exp3A_86 = math.exp %neg3A_85 : vector<256x256xf32>
    %mul3A_87 = arith.mulf %exp3A_78, %exp3A_86 : vector<256x256xf32>
    %swap3A = arith.constant 0 : index
    %swap3A_88 = arith.constant 0 : index
    %swap3A_89 = vector.load %arg5[%swap3A, %swap3A_88] : memref<256x256xf32, #tpu.memory_space<vmem>>, vector<256x256xf32>
    tpu.vector_store %arg5[%swap3A, %swap3A_88], %mul3A_87 {strides = array<i32>} : memref<256x256xf32, #tpu.memory_space<vmem>>, vector<256x256xf32>,
    return
  }
}

module attributes {stable_mosaic.version = 14 : i64} {
  func.func @_tc_body(%arg0: i32, %arg1: memref<256x1xf32, #tpu.memory_space<vmem>>, %arg2: memref<16x256x256xf32, #tpu.memory_space<vmem>>, %arg3: memref<1x1xf32, #tpu.memory_space<smem>>, %arg4: memref<1x1xi32, #tpu.memory_space<smem>>, %arg5: memref<1xf32, #tpu.memory_space<smem>>, %arg6: memref<1xi32, #tpu.memory_space<smem>>) attributes {dimension_semantics = [#tpu.dimension_semantics<arbitrary>], iteration_bounds = array<i64: 10>, scalar_prefetch = 0 : i64, scratch_operands = 2 : i64, tpu.core_type = #tpu.core_type<tc>, window_params = [{pipeline_mode = #tpu.pipeline_mode<synchronous>, transform_indices = @transform_0, window_bounds = array<i64: 256, 1>}, {transform_indices = @transform_1, window_bounds = array<i64: 16, 256, 256>}, {transform_indices = @transform_2, window_bounds = array<i64: 1, 1>}, {transform_indices = @transform_3, window_bounds = array<i64: 1, 1>}]} {
    %get3A = arith.constant 0 : index
    %get3A_0 = arith.constant 0 : index
    %get3A_1 = arith.constant 0 : index
    %get3A_2 = vector.load %arg2[%get3A, %get3A_0, %get3A_1] : memref<16x256x256xf32, #tpu.memory_space<vmem>>, vector<16x256x256xf32>
    %reshape3A = vector.shape_cast %get3A_2 : vector<16x256x256xf32> to vector<4096x256xf32>
    %get3A_3 = arith.constant 0 : index
    %get3A_4 = arith.constant 0 : index
    %get3A_5 = vector.load %arg1[%get3A_3, %get3A_4] : memref<256x1xf32, #tpu.memory_space<vmem>>, vector<256x1xf32>
    %dot_general3A = arith.constant dense<0.000000e+00> : vector<4096x1xf32>
    %dot_general3A_6 = tpu.matmul %reshape3A, %get3A_5, %dot_general3A {dimension_numbers = #tpu.dot_dimension_numbers<[1], [0], [0], [1], [0, 0, 1, 1], [], []>, transpose_lhs_hint = false} : vector<4096x256xf32>, vector<256x1xf32>, vector<4096x1xf32> -> vector<4096x1xf32>
    %reduce_max3A = vector.shape_cast %dot_general3A_6 : vector<4096x1xf32> to vector<1x4096x1xf32>
    %reduce_max3A_7 = arith.constant dense<0xFF800000> : vector<1xf32>
    %reduce_max3A_8 = vector.multi_reduction <maximumf>, %reduce_max3A, %reduce_max3A_7 [1, 2] : vector<1x4096x1xf32> to vector<1xf32>
    %reduce_max3A_9 = vector.shape_cast %reduce_max3A_8 : vector<1xf32> to vector<1x1x1xf32>
    %reduce_max3A_10 = vector.extract %reduce_max3A_9[0, 0, 0] : f32 from vector<1x1x1xf32>
    %eq3A = arith.constant 0 : i32
    %eq3A_11 = arith.cmpi eq, %arg0, %eq3A : i32
    %get3A_12 = arith.constant 0 : index
    %get3A_13 = memref.load %arg5[%get3A_12] : memref<1xf32, #tpu.memory_space<smem>>
    %gt3A = arith.cmpf ogt, %reduce_max3A_10, %get3A_13 : f32
    %or3A = arith.ori %eq3A_11, %gt3A : i1
    %convert_element_type3A = arith.extui %or3A : i1 to i32
    %cond3A = arith.constant 0 : i32
    %cond3A_14 = arith.cmpi ne, %convert_element_type3A, %cond3A : i32
    scf.if %cond3A_14 {
      %iota3A = tpu.iota {dimensions = array<i32: 0>} : vector<4096x1xi32>
      %eq3A_20 = vector.broadcast %reduce_max3A_10 : f32 to vector<4096x1xf32>
      %eq3A_21 = arith.cmpf oeq, %dot_general3A_6, %eq3A_20 : vector<4096x1xf32>
      %jit3A = arith.constant 1073741824 : i32
      %broadcast_in_dim3A = vector.broadcast %jit3A : i32 to vector<4096x1xi32>
      %select_n3A = arith.select %eq3A_21, %iota3A, %broadcast_in_dim3A : vector<4096x1xi1>, vector<4096x1xi32>
      %reduce_min3A = vector.shape_cast %select_n3A : vector<4096x1xi32> to vector<1x4096x1xi32>
      %reduce_min3A_22 = arith.constant dense<2147483647> : vector<1xi32>
      %reduce_min3A_23 = vector.multi_reduction <minsi>, %reduce_min3A, %reduce_min3A_22 [1, 2] : vector<1x4096x1xi32> to vector<1xi32>
      %reduce_min3A_24 = vector.shape_cast %reduce_min3A_23 : vector<1xi32> to vector<1x1x1xi32>
      %reduce_min3A_25 = vector.extract %reduce_min3A_24[0, 0, 0] : i32 from vector<1x1x1xi32>
      %swap3A = arith.constant 0 : index
      %swap3A_26 = memref.load %arg5[%swap3A] : memref<1xf32, #tpu.memory_space<smem>>
      memref.store %reduce_max3A_10, %arg5[%swap3A] : memref<1xf32, #tpu.memory_space<smem>>
      %mul3A = arith.constant 4096 : i32
      %mul3A_27 = arith.muli %arg0, %mul3A : i32
      %add3A = arith.addi %mul3A_27, %reduce_min3A_25 : i32
      %swap3A_28 = arith.constant 0 : index
      %swap3A_29 = memref.load %arg6[%swap3A_28] : memref<1xi32, #tpu.memory_space<smem>>
      memref.store %add3A, %arg6[%swap3A_28] : memref<1xi32, #tpu.memory_space<smem>>
    } else {
    }
    %eq3A_15 = arith.constant 9 : i32
    %eq3A_16 = arith.cmpi eq, %arg0, %eq3A_15 : i32
    %convert_element_type3A_17 = arith.extui %eq3A_16 : i1 to i32
    %cond3A_18 = arith.constant 0 : i32
    %cond3A_19 = arith.cmpi ne, %convert_element_type3A_17, %cond3A_18 : i32
    scf.if %cond3A_19 {
      %get3A_20 = arith.constant 0 : index
      %get3A_21 = memref.load %arg5[%get3A_20] : memref<1xf32, #tpu.memory_space<smem>>
      %swap3A = arith.constant 0 : index
      %swap3A_22 = arith.constant 0 : index
      %swap3A_23 = memref.load %arg3[%swap3A, %swap3A_22] : memref<1x1xf32, #tpu.memory_space<smem>>
      memref.store %get3A_21, %arg3[%swap3A, %swap3A_22] : memref<1x1xf32, #tpu.memory_space<smem>>
      %get3A_24 = arith.constant 0 : index
      %get3A_25 = memref.load %arg6[%get3A_24] : memref<1xi32, #tpu.memory_space<smem>>
      %swap3A_26 = arith.constant 0 : index
      %swap3A_27 = arith.constant 0 : index
      %swap3A_28 = memref.load %arg4[%swap3A_26, %swap3A_27] : memref<1x1xi32, #tpu.memory_space<smem>>
      memref.store %get3A_25, %arg4[%swap3A_26, %swap3A_27] : memref<1x1xi32, #tpu.memory_space<smem>>
    } else {
    }
    return
  }
  func.func @transform_0(%arg0: i32) -> (i32, i32) {
    %c0_i32 = arith.constant 0 : i32
    %c0_i32_0 = arith.constant 0 : i32
    %c0_i32_1 = arith.constant 0 : i32
    return %c0_i32, %c0_i32_0 : i32, i32
  }
  func.func @transform_1(%arg0: i32) -> (i32, i32, i32) {
    %c0_i32 = arith.constant 0 : i32
    %c0_i32_0 = arith.constant 0 : i32
    %c0_i32_1 = arith.constant 0 : i32
    return %arg0, %c0_i32, %c0_i32_0 : i32, i32, i32
  }
  func.func @transform_2(%arg0: i32) -> (i32, i32) {
    %c0_i32 = arith.constant 0 : i32
    %c0_i32_0 = arith.constant 0 : i32
    %c0_i32_1 = arith.constant 0 : i32
    return %c0_i32, %c0_i32_0 : i32, i32
  }
  func.func @transform_3(%arg0: i32) -> (i32, i32) {
    %c0_i32 = arith.constant 0 : i32
    %c0_i32_0 = arith.constant 0 : i32
    %c0_i32_1 = arith.constant 0 : i32
    return %c0_i32, %c0_i32_0 : i32, i32
  }
}

</mosaic_0001>

<sc_bundles>
// kernel: kernel.5.cloned.1.call-start
scs
__scs_entry_jumppad:
0x0: {  	(pc) =	sbr.rel $0x88, $3  }
0x1: {  	(tag) =	ssettag $0x0;
	lr =	simm.s32 $0x1  }
0x2: {  	[smem:$0x3F9E] =	sst lr;
	_ =	strace $0xD0000000  }
0x3: {  	_ = 	snop  }
0x4: {  	_ = 	snop  }
0x5: {  	_ = 	snop  }
0x6: {  	_ = 	snop  }
0x7: {  	_ = 	snop  }
__scs_overlays_trampoline_lowered:
0x8: {  	[smem:$0x3FAD] =	sst s0  }
0x9: {  	[smem:$0x3FAE] =	sst s1  }
0xa: {  	[smem:$0x3FAF] =	sst s2  }
0xb: {  	[smem:$0x3FB0] =	sst s3  }
0xc: {  	[smem:$0x3FB1] =	sst s4  }
0xd: {  	[smem:$0x3FB2] =	sst s5  }
0xe: {  	[smem:$0x3FB3] =	sst s6  }
0xf: {  	[smem:$0x3FB4] =	sst s7  }
0x10: {  	[smem:$0x3FB5] =	sst s8  }
0x11: {  	[smem:$0x3FB6] =	sst s9;
	s0 =	simm.s32 @!p0 $0x0  }
0x12: {  	s1 =	sld [smem:$0x3F9C];
	s0 =	simm.s32 @p0 $0x1  }
0x13: {  	[smem:$0x3FB7] =	sst s0;
	s0 =	simm.s32 @!p1 $0x0  }
0x14: {  	s2 =	sld [smem:$0x3F9B];
	s0 =	simm.s32 @p1 $0x1  }
0x15: {  	[smem:$0x3FB8] =	sst s0;
	s0 =	simm.s32 @!p2 $0x0  }
0x16: {  	s3 =	sld [smem:$0x3FDB];
	s0 =	simm.s32 @p2 $0x1  }
0x17: {  	s4 =	simm.s32 $0x1BF5;
	[smem:$0x3FBA] =	sst s0  }
0x18: {  	s0 =	sld [smem:$0x3F9D];
	_ =	swait.ge [sflag:s4], $0x0  }
0x19: {  	s7 =	sld [smem:$0x3F9E]  }
0x1a: {  	s8 =	sadd.s32 $0xFFFFE003, lr  }
0x1b: {  	s9 =	sadd.s32 $0xFFFFFEF7, lr;
	s5 =	simm.s32 $0xFFFFFFFF;
	p2 =	slt.u32 s8, $0xFFFFF086  }
0x1c: {  	p1 =	slt.u32 s9, $0xF7A;
	s5 =	simm.s32 @!p2 $0x0  }
0x1d: {  	s5 =	simm.s32 @p1 $0x1;
	p0 =	seq.s32 s7, s2  }
0x1e: {  	s7 =	smul.u32 @!p0 $0xF7A, s2;
	p2 =	seq.s32 @!p0 s5, $0x0  }
0x1f: {  	s9 =	smul.u32 $0xF7A, s1;
	s8 =	simm.s32 @!p0 $0x1BF5;
	p2 =	por !p2, p0  }
0x20: {  	[sflag:s8] =	ssyncset.s32 @!p0 $0xFFFFF086;
	s6 =	sadd.s32 @!p0 s3, s7;
	s7 =	simm.s32 @!p0 $0x108  }
0x21: {  	s3 =	sadd.s32 s3, s9;
	s6 =	sadd.s32 @!p0 $0x88, s6;
	s7 =	simm.s32 @p2 $0x1082  }
0x22: {  	[simem:s7], [sflag:s8] =	dma.local @!p0 [hbm:s6], $0xF7A  }
0x23: {  	s9 =	sor.u32 $0xD0000000, s2;
	s6 =	simm.s32 $0x108;
	_ =	swait.ge @!p0 [sflag:s8], $0x0  }
0x24: {  	s3 =	sadd.s32 $0x88, s3;
	s6 =	simm.s32 @!p1 $0x1082;
	[sflag:s4] =	ssyncset.s32 $0xFFFFF086  }
0x25: {  	[simem:s6], [sflag:s4] =	dma.local [hbm:s3], $0xF7A  }
0x26: {  	[smem:$0x3F9E] =	sst s1;
	(tag) =	ssettag s2;
	_ =	strace s9  }
0x27: {  	s1 =	sld [smem:$0x3FAE]  }
0x28: {  	s2 =	sld [smem:$0x3FAF]  }
0x29: {  	s4 =	sld [smem:$0x3FB1]  }
0x2a: {  	p0 =	seq.s32 s5, $0x0;
	s5 =	sld [smem:$0x3FB2]  }
0x2b: {  	s6 =	sld [smem:$0x3FB3]  }
0x2c: {  	s7 =	sld [smem:$0x3FB4]  }
0x2d: {  	s3 =	simm.s32 $0x108;
	s8 =	sld [smem:$0x3FB5]  }
0x2e: {  	s3 =	simm.s32 @!p0 $0x1082;
	s9 =	sld [smem:$0x3FB6]  }
0x2f: {  	lr =	sadd.s32 s0, s3;
	s0 =	sld [smem:$0x3FAD]  }
0x30: {  	s3 =	sld [smem:$0x3FB0]  }
0x31: {  	[smem:$0x3FB9] =	sst s10  }
0x32: {  	s10 =	sld [smem:$0x3FB7];
	_ =	sdelay $0x3  }
0x33: {  	p0 =	seq.s32 s10, $0x1;
	s10 =	sld [smem:$0x3FB9];
	_ =	sdelay $0x3  }
0x34: {  	[smem:$0x3FB9] =	sst s10  }
0x35: {  	s10 =	sld [smem:$0x3FB8];
	_ =	sdelay $0x3  }
0x36: {  	p1 =	seq.s32 s10, $0x1;
	s10 =	sld [smem:$0x3FB9];
	_ =	sdelay $0x3  }
0x37: {  	[smem:$0x3FB9] =	sst s10  }
0x38: {  	s10 =	sld [smem:$0x3FBA]  }
0x39: {  	_ = 	snop;
	(pc) =	sbr.ind lr, $3  }
0x3a: {  	_ = 	snop  }
0x3b: {  	_ = 	snop  }
0x3c: {  	p2 =	seq.s32 s10, $0x1;
	s10 =	sld [smem:$0x3FB9]  }
0x3d: {  	_ =	shalt  }
0x3e: {  	_ =	shalt  }
0x3f: {  	_ =	shalt  }
0x40: {  	_ =	shalt  }
0x41: {  	_ =	shalt  }
0x42: {  	_ =	shalt  }
0x43: {  	_ =	shalt  }
0x44: {  	_ =	shalt  }
0x45: {  	_ =	shalt  }
0x46: {  	_ =	shalt  }
0x47: {  	_ =	shalt  }
0x48: {  	_ =	shalt  }
0x49: {  	_ =	shalt  }
0x4a: {  	_ =	shalt  }
0x4b: {  	_ =	shalt  }
0x4c: {  	_ =	shalt  }
0x4d: {  	_ =	shalt  }
0x4e: {  	_ =	shalt  }
0x4f: {  	_ =	shalt  }
0x50: {  	_ =	shalt  }
0x51: {  	_ =	shalt  }
0x52: {  	_ =	shalt  }
0x53: {  	_ =	shalt  }
0x54: {  	_ =	shalt  }
0x55: {  	_ =	shalt  }
0x56: {  	_ =	shalt  }
0x57: {  	_ =	shalt  }
0x58: {  	_ =	shalt  }
0x59: {  	_ =	shalt  }
0x5a: {  	_ =	shalt  }
0x5b: {  	_ =	shalt  }
0x5c: {  	_ =	shalt  }
0x5d: {  	_ =	shalt  }
0x5e: {  	_ =	shalt  }
0x5f: {  	_ =	shalt  }
0x60: {  	_ =	shalt  }
0x61: {  	_ =	shalt  }
0x62: {  	_ =	shalt  }
0x63: {  	_ =	shalt  }
0x64: {  	_ =	shalt  }
0x65: {  	_ =	shalt  }
0x66: {  	_ =	shalt  }
0x67: {  	_ =	shalt  }
0x68: {  	_ =	shalt  }
0x69: {  	_ =	shalt  }
0x6a: {  	_ =	shalt  }
0x6b: {  	_ =	shalt  }
0x6c: {  	_ =	shalt  }
0x6d: {  	_ =	shalt  }
0x6e: {  	_ =	shalt  }
0x6f: {  	_ =	shalt  }
0x70: {  	_ =	shalt  }
0x71: {  	_ =	shalt  }
0x72: {  	_ =	shalt  }
0x73: {  	_ =	shalt  }
0x74: {  	_ =	shalt  }
0x75: {  	_ =	shalt  }
0x76: {  	_ =	shalt  }
0x77: {  	_ =	shalt  }
0x78: {  	_ =	shalt  }
0x79: {  	_ =	shalt  }
0x7a: {  	_ =	shalt  }
0x7b: {  	_ =	shalt  }
0x7c: {  	_ =	shalt  }
0x7d: {  	_ =	shalt  }
0x7e: {  	_ =	shalt  }
0x7f: {  	_ =	shalt  }
0x80: {  	_ =	shalt  }
0x81: {  	_ =	shalt  }
0x82: {  	_ =	shalt  }
0x83: {  	_ =	shalt  }
0x84: {  	_ =	shalt  }
0x85: {  	_ =	shalt  }
0x86: {  	_ =	shalt  }
0x87: {  	_ =	shalt  }
.Lfunc_end0:
.L_simem_size_0:
called_computation_lowered:
.L_overlay_start_0:
0x88: {  	s2 =	sld [smem:$0x3FD9]  }
0x89: {  	s3 =	sld [smem:$0x3FFE];
	_ =	sdelay $0x1  }
0x8a: {  	s1 =	srdreg.scid  }
0x8b: {  	s0 =	sand.u32 $0x1, s1  }
0x8c: {  	s17 =	sshll.u32 s0, $0xA;
	s2 =	sadd.s32 s3, s2  }
0x8d: {  	s2 =	sadd.s32 s2, s17  }
0x8e: {  	[smem:$0x3FC5] =	sst s2  }
0x8f: {  	_ = 	snop  }
0x90: {  	s2 =	sld [smem:$0x3FC9]  }
0x91: {  	s18 =	sld [smem:$0x3FC7]  }
0x92: {  	s4 =	sld [smem:$0x3FD0];
	(tm) =	ssettm $0x1  }
0x93: {  	s5 =	sld [smem:$0x3FFB];
	_ =	sdelay $0x3  }
0x94: {  	_ =	strace s5  }
0x95: {  	s5 =	sld [smem:$0x3FFC];
	_ =	sdelay $0x3  }
0x96: {  	_ =	strace s5  }
0x97: {  	s5 =	sld [smem:$0x3FFD];
	_ =	sdelay $0x3  }
0x98: {  	_ =	strace s5  }
0x99: {  	_ =	strace $0x8FFFFFFF  }
0x9a: {  	s19 =	sld [smem:$0x3FDB];
	_ =	sdelay $0x1  }
0x9b: {  	s6 =	simm.s32 $_scs_section_size  }
0x9c: {  	s7 =	simm.s32 $_size__tile_overlayer_lowered;
	s8 =	simm.s32 $_tile_overlayer_lowered  }
0x9d: {  	s22 =	simm.s32 $0x1BFF;
	s21 =	sshll.u32 s8, $0x1;
	s5 =	sadd.s32 s6, s19  }
0x9e: {  	s9 =	simm.s32 $0x0;
	s20 =	sshll.u32 s7, $0x1;
	s7 =	sadd.s32 s21, s5  }
0x9f: {  	[timem:s9], [sflag:s22] =	dma.local [hbm:s7], s20  }
0xa0: {  	_ =	swait.ge [sflag:s22], s20  }
0xa1: {  	s6 =	ssub.s32 $0x0, s20;
	[sflag:s22] =	ssyncset.done $0x0  }
0xa2: {  	[sflag:s22] =	ssyncadd.s32 s6;
	_ =	sdelay $0x1  }
0xa3: {  	s23 =	simm.s32 $0x1B8B  }
0xa4: {  	_ =	swait.ge [sflag:s23], $0x1  }
0xa5: {  	[sflag:s23] =	ssyncset.done $0x0  }
0xa6: {  	s25 =	simm.s32 $0x1B8E;
	s24 =	sld [smem:$0x3FFE];
	[sflag:s23] =	ssyncadd.s32 $0xFFFFFFFF  }
0xa7: {  	s26 =	simm.s32 $execute0_lowered;
	[smem:$0x3FD2] =	sst s25  }
0xa8: {  	s7 =	sshll.u32 s26, $0x1;
	_ =	strace $0x80000046;
	[dreg:$0x1] =	wrdreg $0xFFFFFFFF  }
0xa9: {  	s28 =	simm.s32 $_size_execute0_lowered;
	s5 =	sadd.s32 s5, s7;
	[dreg:$0x0] =	wrdreg $0x0  }
0xaa: {  	s7 =	sshll.u32 s28, $0x1;
	[dreg:$0x2] =	wrdreg s5  }
0xab: {  	[dreg:$0x3] =	wrdreg s7  }
0xac: {  	[dreg:$0x4] =	wrdreg $0xC0  }
0xad: {  	_ =	task [dreg:s9], $0x5FFFF  }
0xae: {  	[dreg:$0x1] =	wrdreg $0xFFFFFFFF  }
0xaf: {  	[dreg:$0x0] =	wrdreg $0x60  }
0xb0: {  	[dreg:$0x2] =	wrdreg s2  }
0xb1: {  	[dreg:$0x3] =	wrdreg s18  }
0xb2: {  	[dreg:$0x4] =	wrdreg s4  }
0xb3: {  	[dreg:$0x5] =	wrdreg s24  }
0xb4: {  	[dreg:$0x6] =	wrdreg $0x9  }
0xb5: {  	_ =	task.clear_ibuf [dreg:s9], $0x7FFFF;
	_ =	strace $0x90000046  }
0xb6: {  	s29 =	simm.s32 $0x9;
	_ =	strace $0x80000048  }
0xb7: {  	_ =	swait.ge [sflag:s29], $0x1  }
0xb8: {  	[sflag:s29] =	ssyncadd.s32 $0xFFFFFFFF  }
0xb9: {  	_ =	strace $0x90000048  }
0xba: {  	_ =	sfence  }
0xbb: {  	s30 =	sld [smem:$0x0];
	_ =	sdelay $0x2  }
0xbc: {  	s31 =	sshll.u32 s1, $0xD;
	s1 =	sshrl.u32 s1, $0x2  }
0xbd: {  	s3 =	sand.u32 $0x4000, s31;
	s1 =	sadd.s32 s1, s30  }
0xbe: {  	s0 =	sor.u32 s3, s0;
	s1 =	sshll.u32 s1, $0x11  }
0xbf: {  	s0 =	sor.u32 s1, s0  }
0xc0: {  	s0 =	sadd.s32 $0x8F2B, s0  }
0xc1: {  	[sflag:s0] =	ssyncadd.remote.s32 $0x1  }
0xc2: {  	_ =	sfence.sel $0xFFFF  }
0xc3: {  	[dreg:$0x0] =	wrdreg $0xFFFFFFFF;
	(pc) =	sbr.abs _section_cstart, $3  }
0xc4: {  	[dreg:$0x1] =	wrdreg $0xFFFFFFFF  }
0xc5: {  	_ =	task.clear_ibuf [dreg:s9], $0x2FFFF;
	_ =	strace $0x9FFFFFFF  }
0xc6: {  	(tm) =	ssettm $0x7FFFFFFF  }
0xc7: {  	_ =	shalt  }
tec
execute0_lowered:
.L_overlay_start_1:
0x0: {  	(tag) =	ssettag $0x1  }
0x1: {  	s8 =	rddreg [dreg:$0x1]  }
0x2: {  	s0 =	srdreg.scid;
	s1 =	rddreg [dreg:$0x2]  }
0x3: {  	s2 =	rddreg [dreg:$0x3];
	s9 =	stileid.u32;
	s10 =	simm.s32 $0x0  }
0x4: {  	s0 =	sand.u32 $0x1, s0;
	[smem:$0x7FF] =	sst s10;
	s5 =	sshll.u32 s9, $0x4  }
0x5: {  	s29 =	smul.u32 $0x300, s9;
	s3 =	sshll.u32 s0, $0x4;
	s5 =	sand.u32 $0x70, s5  }
0x6: {  	s26 =	ssub.s32 $0x2, s0;
	s0 =	smul.u32 $0x3000, s0;
	s3 =	sor.u32 s9, s3  }
0x7: {  	_ =	strace $0x80000047;
	s6 =	sshrl.u32 s26, $0x1;
	s4 =	sshll.u32 s3, $0x4  }
0x8: {  	s3 =	smul.u32 $0x3, s3;
	s0 =	sadd.s32 s29, s0;
	s4 =	sand.u32 $0x180, s4  }
0x9: {  	[dreg:$0xc] =	wrdreg s0;
	s0 =	sadd.s32 $0xA080, s0;
	s4 =	sor.u32 s5, s4  }
0xa: {  	s7 =	sshll.u32 s3, $0xD;
	s3 =	sadd.s32 $0xA1, s3;
	[dreg:$0xd] =	wrdreg s0  }
0xb: {  	s5 =	ssub.s32 s26, s6;
	[dreg:$0x8] =	wrdreg s3;
	s1 =	sadd.s32 s1, s4  }
0xc: {  	s28 =	sadd.s32 $0x140000, s7;
	s31 =	smax.u32 s5, $0x1;
	[dreg:$0x9] =	wrdreg s1  }
.Ltmp0:
0xd: {  	s7 =	sadd.s32 s8, s28;
	[dreg:$0xb] =	wrdreg s31;
	(pc) =	sbr.rel .LBB2_1-.Ltmp0, $4  }
0xe: {  	s2 =	sadd.s32 s4, s2;
	s8 =	sadd.s32 $0x1000, s8;
	[dreg:$0x5] =	wrdreg s7  }
0xf: {  	s30 =	sadd.s32 $0x1000, s2;
	[dreg:$0x6] =	wrdreg s8  }
0x10: {  	s6 =	sadd.s32 s28, s8;
	[dreg:$0xa] =	wrdreg s30  }
0x11: {  	s1 =	simm.s32 $0x3;
	s2 =	simm.s32 $0x0;
	[dreg:$0x7] =	wrdreg s6  }
.LBB2_8:
0x12: {  	v0 =	vmov s22  }
0x13: {  	v63 =	vmov s23;
	[tilespmem:$0x10100] =	vst v0  }
0x14: {  	s10 =	simm.s32 $0x0;
	s0 =	rddreg [dreg:$0x9];
	s1 =	simm.s32 $0x10100;
	[tilespmem:$0x10180] =	vst v63  }
0x15: {  	[hbm4b:s0+s10] =	stream.linear.scatter [tilespmem:s1], [sflag:$0x3], $0x80, $0x38;
	[tilespmem:$0x10200] =	vst v63  }
0x16: {  	s1 =	simm.s32 $0x3  }
0x17: {  	_ =	swait.ge [sflag:s1], $0x80  }
0x18: {  	[sflag:s1] =	ssyncset.done $0x0  }
0x19: {  	s2 =	simm.s32 $0x10180;
	s29 =	rddreg [dreg:$0xa];
	[sflag:s1] =	ssyncadd.s32 $0xFFFFFF80  }
0x1a: {  	[hbm4b:s29+s10] =	stream.linear.scatter [tilespmem:s2], [sflag:$0x3], $0x80, $0x38;
	[tilespmem:$0x10200] =	vst v63  }
0x1b: {  	_ =	swait.ge [sflag:s1], $0x80  }
0x1c: {  	s30 =	rddreg [dreg:$0xe]  }
0x1d: {  	s31 =	rddreg [dreg:$0xb];
	s2 =	sadd.s32 $0x1, s30  }
0x1e: {  	p0 =	sne.s32 s2, s31  }
.Ltmp1:
0x1f: {  	_ = 	snop;
	(pc) =	sbr.rel @!p0 .LBB2_9-.Ltmp1, $3  }
0x20: {  	_ =	sdelay $0x1  }
0x21: {  	[sflag:s1] =	ssyncset.done $0x0  }
0x22: {  	[sflag:s1] =	ssyncadd.s32 $0xFFFFFF80  }
.LBB2_1:
0x23: {  	[dreg:$0xe] =	wrdreg s2  }
0x24: {  	s0 =	rddreg [dreg:$0x0]  }
0x25: {  	[tilespmem:s10], [sflag:$0x3] =	stream.linear.gather [hbm4b:s0+s10], $0x100, $0x38;
	[tilespmem:$0x10200] =	vst v63  }
0x26: {  	_ =	swait.ge [sflag:s1], $0x100  }
0x27: {  	[sflag:s1] =	ssyncset.done $0x0  }
0x28: {  	[sflag:s1] =	ssyncadd.s32 $0xFFFFFF00  }
0x29: {  	v0 =	vld [tilespmem:$0x0]  }
0x2a: {  	v1 =	vld [tilespmem:$0x10]  }
0x2b: {  	v2 =	vld [tilespmem:$0x20]  }
0x2c: {  	v3 =	vld [tilespmem:$0x30]  }
0x2d: {  	v4 =	vld [tilespmem:$0x40]  }
0x2e: {  	v5 =	vld [tilespmem:$0x50]  }
0x2f: {  	v6 =	vld [tilespmem:$0x60]  }
0x30: {  	v7 =	vld [tilespmem:$0x70]  }
0x31: {  	v8 =	vld [tilespmem:$0x80]  }
0x32: {  	v9 =	vld [tilespmem:$0x90]  }
0x33: {  	v10 =	vld [tilespmem:$0xA0]  }
0x34: {  	v11 =	vld [tilespmem:$0xB0]  }
0x35: {  	s28 =	rddreg [dreg:$0x5];
	v12 =	vld [tilespmem:$0xC0]  }
0x36: {  	s29 =	simm.s32 $0x100;
	s30 =	rddreg [dreg:$0x7];
	v13 =	vld [tilespmem:$0xD0]  }
0x37: {  	s31 =	simm.s32 $0x8100;
	s22 =	simm.f32 $-Inf;
	s16 =	rddreg [dreg:$0xd];
	v14 =	vld [tilespmem:$0xE0]  }
0x38: {  	v15 =	vld [tilespmem:$0xF0];
	[tilespmem:s29], [sflag:$0x1] =	stream.linear.gather [hbm4b:s28+s10], $0x8000, $0x38  }
0x39: {  	s23 =	simm.s32 $0x0;
	s12 =	simm.s32 $0x0;
	s25 =	rddreg [dreg:$0xc]  }
0x3a: {  	[tilespmem:s31], [sflag:$0x2] =	stream.linear.gather [hbm4b:s30+s10], $0x8000, $0x38;
	[tilespmem:$0x10200] =	vst v63  }
.LBB2_2:
0x3b: {  	[dreg:$0xf] =	wrdreg s16;
	s28 =	simm.s32 $0x0;
	s2 =	simm.s32 $0x1  }
0x3c: {  	_ =	swait.ge [sflag:s2], $0x8000;
	s0 =	sand.u32 $0x7800, s28  }
0x3d: {  	s1 =	sand.u32 $0x300, s28;
	[sflag:s2] =	ssyncset.done $0x0;
	s0 =	sor.u32 $0x100, s0  }
0x3e: {  	[sflag:s2] =	ssyncadd.s32 $0xFFFF8000;
	s1 =	sadd.s32 s1, s0  }
0x3f: {  	v16 =	vld [tilespmem:s1+$0x470]  }
0x40: {  	v17 =	vld [tilespmem:s1+$0x50]  }
0x41: {  	v18 =	vld [tilespmem:s1+$0x70]  }
0x42: {  	v19 =	vld [tilespmem:s1+$0x60]  }
0x43: {  	v20 =	vld [tilespmem:s1+$0x20]  }
0x44: {  	v21 =	vld [tilespmem:s1+$0x460]  }
0x45: {  	v22 =	vld [tilespmem:s1+$0x40]  }
0x46: {  	v23 =	vld [tilespmem:s1+$0x30]  }
0x47: {  	v24 =	vld [tilespmem:s1+$0x430]  }
0x48: {  	v25 =	vld [tilespmem:s1+$0x400]  }
0x49: {  	v27 =	vld [tilespmem:s1+$0x420]  }
0x4a: {  	v30 =	vld [tilespmem:s1+$0x410]  }
0x4b: {  	v31 =	vld [tilespmem:s1+$0x0];
	v16 =	vmul.f32 v16, v15  }
0x4c: {  	v26 =	vld [tilespmem:s1+$0x10];
	v17 =	vmul.f32 v17, v5;
	v19 =	vmul.f32 v19, v6  }
0x4d: {  	s17 =	simm.s32 $0x80;
	v28 =	vld [tilespmem:s1+$0x450];
	v18 =	vmul.f32 v18, v7;
	v21 =	vmul.f32 v21, v14  }
0x4e: {  	v29 =	vld [tilespmem:s1+$0x440];
	s1 =	sand.u32 $0x380, s17;
	v22 =	vmul.f32 v22, v4;
	v23 =	vmul.f32 v23, v3  }
0x4f: {  	s0 =	sadd.s32 s1, s0;
	v24 =	vmul.f32 v24, v11;
	v60 =	vmul.f32 v27, v10  }
0x50: {  	v63 =	vld [tilespmem:s0+$0x470];
	v61 =	vmul.f32 v30, v9;
	v62 =	vmul.f32 v31, v0  }
0x51: {  	v32 =	vld [tilespmem:s0+$0x460];
	v18 =	vadd.f32 v18, v19;
	v19 =	vmul.f32 v20, v2;
	v20 =	vmul.f32 v26, v1  }
0x52: {  	v35 =	vld [tilespmem:s0+$0x60];
	v16 =	vadd.f32 v16, v21;
	v21 =	vmul.f32 v25, v8;
	v17 =	vadd.f32 v17, v22  }
0x53: {  	v36 =	vld [tilespmem:s0+$0x50];
	v22 =	vmul.f32 v29, v12;
	v19 =	vadd.f32 v23, v19;
	v23 =	vmul.f32 v28, v13  }
0x54: {  	v40 =	vld [tilespmem:s0+$0x0];
	v24 =	vadd.f32 v24, v60;
	v21 =	vadd.f32 v61, v21  }
0x55: {  	v20 =	vadd.f32 v20, v62;
	v22 =	vadd.f32 v23, v22;
	v23 =	vld [tilespmem:s0+$0x450]  }
0x56: {  	v17 =	vadd.f32 v18, v17;
	v18 =	vadd.f32 v24, v21;
	v21 =	vld [tilespmem:s0+$0x440]  }
0x57: {  	v19 =	vadd.f32 v19, v20;
	v20 =	vld [tilespmem:s0+$0x430];
	v16 =	vadd.f32 v16, v22  }
0x58: {  	v22 =	vld [tilespmem:s0+$0x420]  }
0x59: {  	v33 =	vmul.f32 v32, v14;
	v17 =	vadd.f32 v17, v19;
	v19 =	vld [tilespmem:s0+$0x400];
	v16 =	vadd.f32 v16, v18  }
0x5a: {  	v34 =	vmul.f32 v63, v15;
	v26 =	vmul.f32 v35, v6;
	v18 =	vld [tilespmem:s0+$0x410]  }
0x5b: {  	v39 =	vld [tilespmem:s0+$0x10];
	v23 =	vmul.f32 v23, v13;
	v21 =	vmul.f32 v21, v12;
	v16 =	vadd.f32 v16, v17  }
0x5c: {  	v37 =	vld [tilespmem:s0+$0x40];
	v41 =	vmul.f32 v36, v5;
	v42 =	vmul.f32 v40, v0;
	v24 =	vadd.f32 v34, v33  }
0x5d: {  	v20 =	vmul.f32 v20, v11;
	v17 =	vld [tilespmem:s0+$0x70];
	v21 =	vadd.f32 v23, v21;
	(v2sf) =	vpush v16, $0xF  }
0x5e: {  	v38 =	vld [tilespmem:s0+$0x20];
	v19 =	vmul.f32 v19, v8;
	v22 =	vmul.f32 v22, v10;
	(v2sf) =	vpush v16, $0xD  }
0x5f: {  	v23 =	vld [tilespmem:s0+$0x30];
	v18 =	vmul.f32 v18, v9;
	v21 =	vadd.f32 v24, v21;
	(v2sf) =	vpush v16, $0xE  }
0x60: {  	s18 =	simm.s32 $0x200;
	v20 =	vadd.f32 v20, v22;
	v24 =	vmul.f32 v39, v1;
	(v2sf) =	vpush v16, $0x3  }
0x61: {  	s19 =	simm.s32 $0x100;
	s0 =	sand.u32 $0x7800, s18;
	v18 =	vadd.f32 v18, v19;
	v19 =	vmul.f32 v37, v4;
	(v2sf) =	vpush v16, $0x0  }
0x62: {  	s1 =	sand.u32 $0x300, s19;
	s0 =	sor.u32 $0x100, s0;
	v17 =	vmul.f32 v17, v7;
	v24 =	vadd.f32 v24, v42;
	(v2sf) =	vpush v16, $0x5  }
0x63: {  	v22 =	vmul.f32 v38, v2;
	s1 =	sadd.s32 s1, s0;
	v19 =	vadd.f32 v41, v19;
	(v2sf) =	vpush v16, $0x2  }
0x64: {  	v43 =	vld [tilespmem:s1+$0x60];
	v23 =	vmul.f32 v23, v3;
	v17 =	vadd.f32 v17, v26;
	(v2sf) =	vpush v16, $0x1  }
0x65: {  	v44 =	vld [tilespmem:s1+$0x20];
	v18 =	vadd.f32 v20, v18;
	(v2sf) =	vpush v16, $0x7  }
0x66: {  	v46 =	vld [tilespmem:s1+$0x10];
	v22 =	vadd.f32 v23, v22;
	(v2sf) =	vpush v16, $0x8  }
0x67: {  	v47 =	vld [tilespmem:s1+$0x420];
	v17 =	vadd.f32 v17, v19;
	(v2sf) =	vpush v16, $0xB  }
0x68: {  	v23 =	vld [tilespmem:s1+$0x470];
	v18 =	vadd.f32 v21, v18;
	(v2sf) =	vpush v16, $0xA  }
0x69: {  	v21 =	vld [tilespmem:s1+$0x460];
	v22 =	vadd.f32 v22, v24;
	(v2sf) =	vpush v16, $0xC  }
0x6a: {  	v48 =	vld [tilespmem:s1+$0x450]  }
0x6b: {  	v20 =	vld [tilespmem:s1+$0x50];
	v17 =	vadd.f32 v17, v22  }
0x6c: {  	v19 =	vld [tilespmem:s1+$0x70];
	(v2sf) =	vpush v16, $0x6;
	s20 =	spop (v2sf)  }
0x6d: {  	v25 =	vmul.f32 v44, v2;
	v22 =	vld [tilespmem:s1+$0x40];
	v17 =	vadd.f32 v18, v17;
	(v2sf) =	vpush v16, $0x4;
	s3 =	spop (v2sf)  }
0x6e: {  	v23 =	vmul.f32 v23, v15;
	v18 =	vld [tilespmem:s1+$0x430];
	v21 =	vmul.f32 v21, v14;
	(v2sf) =	vpush v16, $0x9;
	s4 =	spop (v2sf)  }
0x6f: {  	v45 =	vld [tilespmem:s1+$0x400];
	v27 =	vmul.f32 v46, v1;
	v51 =	vmul.f32 v47, v10;
	(v2sf) =	vpush v17, $0x7;
	s5 =	spop (v2sf)  }
0x70: {  	v52 =	vmul.f32 v48, v13;
	v21 =	vadd.f32 v23, v21;
	v23 =	vld [tilespmem:s1+$0x410];
	(v2sf) =	vpush v17, $0xF;
	s6 =	spop (v2sf)  }
0x71: {  	v50 =	vld [tilespmem:s1+$0x0];
	v24 =	vmul.f32 v43, v6;
	v19 =	vmul.f32 v19, v7;
	(v2sf) =	vpush v17, $0xD;
	s7 =	spop (v2sf)  }
0x72: {  	v49 =	vld [tilespmem:s1+$0x440];
	v20 =	vmul.f32 v20, v5;
	v22 =	vmul.f32 v22, v4;
	(v2sf) =	vpush v17, $0xE;
	s8 =	spop (v2sf)  }
0x73: {  	v19 =	vadd.f32 v19, v24;
	v16 =	vld [tilespmem:s1+$0x30];
	v18 =	vmul.f32 v18, v11;
	(v2sf) =	vpush v17, $0xB;
	s9 =	spop (v2sf)  }
0x74: {  	v20 =	vadd.f32 v20, v22;
	v22 =	vmul.f32 v45, v8;
	(v2sf) =	vpush v17, $0xC;
	s10 =	spop (v2sf)  }
0x75: {  	v23 =	vmul.f32 v23, v9;
	v18 =	vadd.f32 v18, v51;
	(v2sf) =	vpush v17, $0x9;
	s21 =	spop (v2sf)  }
0x76: {  	v53 =	vmul.f32 v50, v0;
	s2 =	sadd.f32 s20, s4;
	v19 =	vadd.f32 v19, v20;
	(v2sf) =	vpush v17, $0xA;
	s24 =	spop (v2sf)  }
0x77: {  	v24 =	vmul.f32 v49, v12;
	v20 =	vadd.f32 v23, v22;
	s5 =	sadd.f32 s5, s8;
	(v2sf) =	vpush v17, $0x6;
	s26 =	spop (v2sf)  }
0x78: {  	s11 =	simm.s32 $0x180;
	v16 =	vmul.f32 v16, v3;
	v22 =	vadd.f32 v27, v53;
	s6 =	sadd.f32 s9, s6;
	(v2sf) =	vpush v17, $0x5;
	s9 =	spop (v2sf)  }
0x79: {  	v23 =	vadd.f32 v52, v24;
	(v2sf) =	vpush v17, $0x3;
	s3 =	sadd.f32 s3, s9;
	s9 =	sand.u32 $0x380, s11  }
0x7a: {  	v16 =	vadd.f32 v16, v25;
	s5 =	sadd.f32 s5, s6;
	(v2sf) =	vpush v17, $0x1;
	s14 =	sadd.s32 s9, s0  }
0x7b: {  	v18 =	vadd.f32 v18, v20;
	s4 =	sadd.f32 s24, s26;
	s13 =	spop (v2sf);
	(v2sf) =	vpush v17, $0x2;
	v54 =	vld [tilespmem:s14+$0x470]  }
0x7c: {  	v16 =	vadd.f32 v16, v22;
	s10 =	sadd.f32 s10, s13;
	s11 =	spop (v2sf);
	(v2sf) =	vpush v17, $0x4;
	v20 =	vld [tilespmem:s14+$0x460]  }
0x7d: {  	v21 =	vadd.f32 v21, v23;
	s16 =	sadd.f32 s7, s11;
	s17 =	spop (v2sf);
	(v2sf) =	vpush v17, $0x0;
	v22 =	vld [tilespmem:s14+$0x450]  }
0x7e: {  	v16 =	vadd.f32 v19, v16;
	s2 =	sadd.f32 s2, s3;
	v19 =	vld [tilespmem:s14+$0x430];
	s19 =	spop (v2sf);
	(v2sf) =	vpush v17, $0x8  }
0x7f: {  	s18 =	sadd.f32 s17, s21;
	v17 =	vld [tilespmem:s14+$0x440];
	s20 =	spop (v2sf)  }
0x80: {  	v18 =	vadd.f32 v21, v18;
	v21 =	vld [tilespmem:s14+$0x420];
	s0 =	sadd.f32 s10, s16;
	s21 =	spop (v2sf)  }
0x81: {  	v23 =	vld [tilespmem:s14+$0x410];
	s3 =	sadd.f32 s4, s18;
	s24 =	spop (v2sf)  }
0x82: {  	v16 =	vadd.f32 v18, v16;
	s0 =	sadd.f32 s0, s5;
	s26 =	spop (v2sf);
	v18 =	vmul.f32 v20, v14;
	v20 =	vld [tilespmem:s14+$0x400]  }
0x83: {  	v55 =	vld [tilespmem:s14+$0x70];
	s2 =	sadd.f32 s2, s3;
	v24 =	vmul.f32 v54, v15;
	s3 =	spop (v2sf)  }
0x84: {  	v56 =	vld [tilespmem:s14+$0x60];
	(v2sf) =	vpush v16, $0xF;
	v22 =	vmul.f32 v22, v13;
	s15 =	sadd.f32 s20, s24;
	v17 =	vmul.f32 v17, v12;
	s10 =	spop (v2sf)  }
0x85: {  	v58 =	vld [tilespmem:s14+$0x20];
	(v2sf) =	vpush v16, $0xD;
	s31 =	sadd.f32 s2, s0;
	v18 =	vadd.f32 v24, v18;
	s16 =	spop (v2sf)  }
0x86: {  	v59 =	vld [tilespmem:s14+$0x30];
	v23 =	vmul.f32 v23, v9;
	s7 =	sadd.f32 s21, s3;
	v17 =	vadd.f32 v22, v17;
	(v2sf) =	vpush v16, $0xE;
	s17 =	spop (v2sf)  }
0x87: {  	v19 =	vmul.f32 v19, v11;
	v22 =	vld [tilespmem:s14+$0x40];
	p1 =	sgt.f32 s31, s22;
	s18 =	spop (v2sf);
	(v2sf) =	vpush v16, $0x3;
	v20 =	vmul.f32 v20, v8  }
0x88: {  	s30 =	simm.s32 $0x2;
	v57 =	vld [tilespmem:s14+$0x50];
	s9 =	sadd.f32 s26, s16;
	v17 =	vadd.f32 v18, v17;
	v18 =	vmul.f32 v21, v10;
	s21 =	spop (v2sf);
	(v2sf) =	vpush v16, $0x0  }
0x89: {  	s29 =	simm.s32 $0x4;
	v61 =	vmul.f32 v55, v7;
	s2 =	sadd.f32 s15, s7;
	s24 =	spop (v2sf);
	(v2sf) =	vpush v16, $0x5;
	v20 =	vadd.f32 v23, v20  }
0x8a: {  	v60 =	vld [tilespmem:s14+$0x10];
	s20 =	simm.s32 $0x200;
	v62 =	vmul.f32 v58, v2;
	s0 =	sadd.f32 s19, s17;
	v18 =	vadd.f32 v19, v18;
	s26 =	spop (v2sf);
	(v2sf) =	vpush v16, $0x2  }
0x8b: {  	v63 =	vmul.f32 v59, v3;
	s15 =	simm.s32 $0x6;
	v21 =	vmul.f32 v56, v6;
	v23 =	vld [tilespmem:s14+$0x0];
	s6 =	sadd.f32 s21, s26;
	(v2sf) =	vpush v16, $0x1;
	s11 =	spop (v2sf)  }
0x8c: {  	s19 =	simm.s32 $0x400;
	v19 =	vmul.f32 v22, v4;
	v18 =	vadd.f32 v18, v20;
	(v2sf) =	vpush v16, $0x7;
	s5 =	sadd.f32 s18, s11;
	s13 =	spop (v2sf)  }
0x8d: {  	s17 =	sand.u32 $0x7800, s19;
	v22 =	vmul.f32 v57, v5;
	v20 =	vadd.f32 v61, v21;
	(v2sf) =	vpush v16, $0x8;
	s4 =	sadd.f32 s24, s13;
	s16 =	spop (v2sf)  }
0x8e: {  	s14 =	sand.u32 $0x300, s20;
	v21 =	vadd.f32 v63, v62;
	s18 =	simm.s32 $0x280;
	(v2sf) =	vpush v16, $0xB;
	s21 =	sadd.f32 s10, s16  }
0x8f: {  	v19 =	vadd.f32 v22, v19;
	s24 =	sor.u32 $0x100, s17;
	s26 =	sand.u32 $0x380, s18;
	(v2sf) =	vpush v16, $0xA;
	s7 =	sadd.f32 s6, s4  }
0x90: {  	v22 =	vmul.f32 v23, v0;
	v23 =	vmul.f32 v60, v1;
	s1 =	sadd.s32 s14, s24;
	s3 =	sadd.s32 s26, s24;
	(v2sf) =	vpush v16, $0xC;
	s9 =	sadd.f32 s9, s21  }
.LBB2_3:
0x91: {  	p0 =	sne.s32 s15, $0x7E  }
0x92: {  	v24 =	vld [tilespmem:s1+$0x470];
	v22 =	vadd.f32 v23, v22;
	(v2sf) =	vpush v16, $0x6;
	s0 =	sadd.f32 s0, s5;
	s5 =	smov.u32 s15;
	s15 =	sadd.s32 $0x2, s15  }
0x93: {  	v19 =	vadd.f32 v20, v19;
	v23 =	vld [tilespmem:s1+$0x50];
	(v2sf) =	vpush v16, $0x4;
	s4 =	sadd.f32 s2, s9  }
0x94: {  	v20 =	vld [tilespmem:s1+$0x70];
	v21 =	vadd.f32 v21, v22;
	(v2sf) =	vpush v16, $0x9;
	s2 =	spop (v2sf);
	s6 =	sadd.f32 s0, s7  }
0x95: {  	v16 =	vld [tilespmem:s1+$0x60];
	s0 =	spop (v2sf)  }
0x96: {  	v17 =	vadd.f32 v17, v18;
	v22 =	vld [tilespmem:s1+$0x20];
	v19 =	vadd.f32 v19, v21;
	s7 =	spop (v2sf);
	s6 =	sadd.f32 s4, s6  }
0x97: {  	s22 =	smov.u32 @p1 s31;
	s9 =	sadd.s32 s28, s25;
	v18 =	vld [tilespmem:s1+$0x460];
	v21 =	vmul.f32 v24, v15;
	s8 =	spop (v2sf)  }
0x98: {  	s11 =	sadd.s32 $0xA000, s9;
	v24 =	vld [tilespmem:s1+$0x40];
	v17 =	vadd.f32 v17, v19;
	s10 =	spop (v2sf);
	p2 =	sgt.f32 s6, s22  }
0x99: {  	s28 =	smov.u32 s30;
	s23 =	smov.u32 @p1 s11;
	v23 =	vmul.f32 v23, v5;
	v19 =	vld [tilespmem:s1+$0x30];
	s4 =	spop (v2sf)  }
0x9a: {  	v20 =	vmul.f32 v20, v7;
	v16 =	vmul.f32 v16, v6;
	v25 =	vld [tilespmem:s1+$0x430];
	s11 =	spop (v2sf);
	(v2sf) =	vpush v17, $0x7;
	s22 =	smov.u32 @p2 s6;
	s6 =	sadd.s32 $0xA001, s9  }
0x9b: {  	s30 =	smov.u32 s29;
	v26 =	vld [tilespmem:s1+$0x400];
	s9 =	spop (v2sf);
	(v2sf) =	vpush v17, $0xF;
	s23 =	smov.u32 @p2 s6  }
0x9c: {  	s29 =	smov.u32 s5;
	s6 =	sadd.f32 s8, s11;
	v27 =	vld [tilespmem:s1+$0x10];
	v18 =	vmul.f32 v18, v14;
	v16 =	vadd.f32 v20, v16;
	s8 =	spop (v2sf);
	(v2sf) =	vpush v17, $0xD  }
0x9d: {  	s5 =	sadd.f32 s9, s10;
	v20 =	vld [tilespmem:s1+$0x420];
	s9 =	spop (v2sf);
	(v2sf) =	vpush v17, $0xE  }
0x9e: {  	v24 =	vmul.f32 v24, v4;
	v28 =	vld [tilespmem:s1+$0x450];
	v18 =	vadd.f32 v21, v18;
	s10 =	spop (v2sf);
	(v2sf) =	vpush v17, $0xB  }
0x9f: {  	s2 =	sadd.f32 s2, s7;
	v19 =	vmul.f32 v19, v3;
	v21 =	vld [tilespmem:s1+$0x440];
	s7 =	spop (v2sf);
	(v2sf) =	vpush v17, $0xC  }
0xa0: {  	v25 =	vmul.f32 v25, v11;
	v29 =	vld [tilespmem:s1+$0x410];
	s7 =	sadd.f32 s10, s7;
	s10 =	spop (v2sf);
	(v2sf) =	vpush v17, $0x9  }
0xa1: {  	v22 =	vmul.f32 v22, v2;
	v30 =	vld [tilespmem:s1+$0x0];
	s0 =	sadd.f32 s0, s10;
	s1 =	spop (v2sf);
	(v2sf) =	vpush v17, $0xA  }
0xa2: {  	v23 =	vadd.f32 v23, v24;
	v27 =	vmul.f32 v27, v1;
	s1 =	sadd.f32 s8, s1;
	s8 =	spop (v2sf);
	(v2sf) =	vpush v17, $0x6  }
0xa3: {  	v24 =	vmul.f32 v26, v8;
	v20 =	vmul.f32 v20, v10;
	s4 =	sadd.f32 s4, s8;
	s8 =	spop (v2sf);
	(v2sf) =	vpush v17, $0x5  }
0xa4: {  	v19 =	vadd.f32 v19, v22;
	s0 =	sadd.f32 s2, s0;
	v21 =	vmul.f32 v21, v12;
	(v2sf) =	vpush v17, $0x3  }
0xa5: {  	v26 =	vmul.f32 v28, v13;
	v20 =	vadd.f32 v25, v20;
	s2 =	sadd.f32 s8, s9;
	v22 =	vmul.f32 v29, v9  }
0xa6: {  	s5 =	sadd.f32 s6, s5;
	v16 =	vadd.f32 v16, v23;
	v25 =	vmul.f32 v30, v0;
	(v2sf) =	vpush v17, $0x1  }
0xa7: {  	s2 =	sadd.f32 s7, s2;
	v22 =	vadd.f32 v22, v24;
	(v2sf) =	vpush v17, $0x2  }
0xa8: {  	s1 =	sadd.f32 s1, s4;
	v21 =	vadd.f32 v26, v21;
	v23 =	vadd.f32 v27, v25;
	v24 =	vld [tilespmem:s3+$0x470]  }
0xa9: {  	s0 =	sadd.f32 s0, s2;
	v20 =	vadd.f32 v20, v22;
	v22 =	vld [tilespmem:s3+$0x460];
	(v2sf) =	vpush v17, $0x4;
	s6 =	spop (v2sf)  }
0xaa: {  	s1 =	sadd.f32 s1, s5;
	v19 =	vadd.f32 v19, v23;
	v23 =	vld [tilespmem:s3+$0x450];
	(v2sf) =	vpush v17, $0x0;
	s2 =	spop (v2sf)  }
0xab: {  	v18 =	vadd.f32 v18, v21;
	v21 =	vld [tilespmem:s3+$0x440];
	(v2sf) =	vpush v17, $0x8;
	s4 =	spop (v2sf)  }
0xac: {  	s31 =	sadd.f32 s0, s1;
	v16 =	vadd.f32 v16, v19;
	v19 =	vld [tilespmem:s3+$0x430];
	s0 =	spop (v2sf)  }
0xad: {  	v17 =	vadd.f32 v18, v20;
	v18 =	vld [tilespmem:s3+$0x420];
	s0 =	sadd.f32 s2, s0;
	s2 =	spop (v2sf)  }
0xae: {  	p1 =	sgt.f32 s31, s22;
	v20 =	vld [tilespmem:s3+$0x410];
	v22 =	vmul.f32 v22, v14;
	s1 =	spop (v2sf)  }
0xaf: {  	v24 =	vmul.f32 v24, v15;
	v16 =	vadd.f32 v17, v16;
	v17 =	vld [tilespmem:s3+$0x400];
	v23 =	vmul.f32 v23, v13;
	s5 =	sadd.f32 s4, s1;
	s1 =	spop (v2sf)  }
0xb0: {  	v25 =	vld [tilespmem:s3+$0x70];
	v21 =	vmul.f32 v21, v12;
	s4 =	spop (v2sf)  }
0xb1: {  	v22 =	vadd.f32 v24, v22;
	v26 =	vld [tilespmem:s3+$0x60];
	(v2sf) =	vpush v16, $0xF;
	s4 =	sadd.f32 s2, s4;
	s7 =	spop (v2sf)  }
0xb2: {  	s2 =	sadd.f32 s0, s5;
	v24 =	vld [tilespmem:s3+$0x50];
	v21 =	vadd.f32 v23, v21;
	(v2sf) =	vpush v16, $0xD;
	s5 =	spop (v2sf)  }
0xb3: {  	s0 =	sadd.f32 s6, s7;
	v23 =	vld [tilespmem:s3+$0x40];
	v20 =	vmul.f32 v20, v9;
	(v2sf) =	vpush v16, $0xE;
	s6 =	spop (v2sf)  }
0xb4: {  	v27 =	vld [tilespmem:s3+$0x30];
	v28 =	vmul.f32 v17, v8;
	v17 =	vadd.f32 v22, v21;
	(v2sf) =	vpush v16, $0x3  }
0xb5: {  	v19 =	vmul.f32 v19, v11;
	v18 =	vmul.f32 v18, v10;
	v21 =	vld [tilespmem:s3+$0x20];
	(v2sf) =	vpush v16, $0x0;
	s7 =	spop (v2sf)  }
0xb6: {  	v29 =	vld [tilespmem:s3+$0x10];
	v22 =	vmul.f32 v26, v6;
	v20 =	vadd.f32 v20, v28;
	(v2sf) =	vpush v16, $0x5;
	s8 =	spop (v2sf)  }
0xb7: {  	v18 =	vadd.f32 v19, v18;
	v26 =	vld [tilespmem:s3+$0x0];
	(v2sf) =	vpush v16, $0x2;
	s3 =	sadd.f32 s6, s8  }
0xb8: {  	s6 =	spop (v2sf)  }
0xb9: {  	s19 =	sadd.s32 $0x200, s19;
	v19 =	vmul.f32 v23, v4;
	v23 =	vmul.f32 v24, v5;
	(v2sf) =	vpush v16, $0x1;
	s5 =	sadd.f32 s5, s6  }
.Ltmp2:
0xba: {  	s20 =	sadd.s32 $0x100, s20;
	v24 =	vmul.f32 v25, v7;
	v18 =	vadd.f32 v18, v20;
	(v2sf) =	vpush v16, $0x7;
	s6 =	spop (v2sf);
	(pc) =	sbr.rel @p0 .LBB2_3-.Ltmp2, $4  }
0xbb: {  	s8 =	sand.u32 $0x300, s20;
	v21 =	vmul.f32 v21, v2;
	v19 =	vadd.f32 v23, v19;
	(v2sf) =	vpush v16, $0x8;
	s6 =	sadd.f32 s7, s6;
	s7 =	spop (v2sf)  }
0xbc: {  	s10 =	sadd.s32 $0x80, s20;
	s9 =	sand.u32 $0x7800, s19;
	v25 =	vmul.f32 v27, v3;
	v20 =	vadd.f32 v24, v22;
	(v2sf) =	vpush v16, $0xB;
	s11 =	sadd.f32 s1, s7  }
0xbd: {  	s10 =	sand.u32 $0x380, s10;
	s9 =	sor.u32 $0x100, s9;
	v23 =	vmul.f32 v29, v1;
	v22 =	vmul.f32 v26, v0;
	(v2sf) =	vpush v16, $0xA;
	s7 =	sadd.f32 s3, s6  }
0xbe: {  	s1 =	sadd.s32 s8, s9;
	s3 =	sadd.s32 s10, s9;
	v21 =	vadd.f32 v25, v21;
	(v2sf) =	vpush v16, $0xC;
	s9 =	sadd.f32 s4, s11  }
0xbf: {  	v24 =	vld [tilespmem:s1+$0x470]  }
0xc0: {  	v25 =	vld [tilespmem:s1+$0x50]  }
0xc1: {  	v26 =	vld [tilespmem:s1+$0x70]  }
0xc2: {  	v27 =	vld [tilespmem:s1+$0x60]  }
0xc3: {  	v22 =	vadd.f32 v23, v22;
	v23 =	vld [tilespmem:s1+$0x20]  }
0xc4: {  	v28 =	vld [tilespmem:s1+$0x460]  }
0xc5: {  	v17 =	vadd.f32 v17, v18;
	v18 =	vld [tilespmem:s1+$0x430]  }
0xc6: {  	v29 =	vld [tilespmem:s1+$0x450]  }
0xc7: {  	v30 =	vld [tilespmem:s1+$0x440]  }
0xc8: {  	v31 =	vld [tilespmem:s1+$0x410]  }
0xc9: {  	v63 =	vld [tilespmem:s1+$0x0]  }
0xca: {  	v19 =	vadd.f32 v20, v19;
	(v2sf) =	vpush v16, $0x6;
	v36 =	vld [tilespmem:s3+$0x470]  }
0xcb: {  	(v2sf) =	vpush v16, $0x4;
	v20 =	vadd.f32 v21, v22;
	v21 =	vld [tilespmem:s1+$0x40];
	v24 =	vmul.f32 v24, v15  }
0xcc: {  	v22 =	vld [tilespmem:s1+$0x30];
	(v2sf) =	vpush v16, $0x9;
	v27 =	vmul.f32 v27, v6;
	v26 =	vmul.f32 v26, v7  }
0xcd: {  	v16 =	vld [tilespmem:s1+$0x420];
	v19 =	vadd.f32 v19, v20;
	v25 =	vmul.f32 v25, v5;
	v28 =	vmul.f32 v28, v14  }
0xce: {  	v32 =	vld [tilespmem:s3+$0x460];
	v18 =	vmul.f32 v18, v11;
	v23 =	vmul.f32 v23, v2  }
0xcf: {  	v20 =	vld [tilespmem:s1+$0x400];
	v31 =	vmul.f32 v31, v9;
	v30 =	vmul.f32 v30, v12;
	v17 =	vadd.f32 v17, v19  }
0xd0: {  	s6 =	spop (v2sf);
	v29 =	vmul.f32 v29, v13;
	v19 =	vld [tilespmem:s1+$0x10];
	v26 =	vadd.f32 v26, v27;
	v21 =	vmul.f32 v21, v4  }
0xd1: {  	v37 =	vld [tilespmem:s3+$0x450];
	s26 =	spop (v2sf);
	v24 =	vadd.f32 v24, v28;
	v22 =	vmul.f32 v22, v3;
	(v2sf) =	vpush v17, $0x7  }
0xd2: {  	v38 =	vld [tilespmem:s3+$0x420];
	s17 =	spop (v2sf);
	v16 =	vmul.f32 v16, v10;
	v29 =	vadd.f32 v29, v30;
	(v2sf) =	vpush v17, $0xF  }
0xd3: {  	v39 =	vld [tilespmem:s3+$0x410];
	s8 =	spop (v2sf);
	v27 =	vmul.f32 v63, v0;
	v21 =	vadd.f32 v25, v21;
	v22 =	vadd.f32 v22, v23  }
0xd4: {  	v40 =	vld [tilespmem:s3+$0x400];
	s18 =	spop (v2sf);
	v20 =	vmul.f32 v20, v8;
	v16 =	vadd.f32 v18, v16;
	(v2sf) =	vpush v17, $0xD  }
0xd5: {  	v41 =	vld [tilespmem:s3+$0x70];
	s19 =	spop (v2sf);
	(v2sf) =	vpush v17, $0xE;
	v19 =	vmul.f32 v19, v1;
	v21 =	vadd.f32 v26, v21  }
0xd6: {  	v42 =	vld [tilespmem:s3+$0x50];
	s20 =	spop (v2sf);
	v20 =	vadd.f32 v31, v20;
	(v2sf) =	vpush v17, $0xB  }
0xd7: {  	v43 =	vld [tilespmem:s3+$0x40];
	s21 =	spop (v2sf);
	(v2sf) =	vpush v17, $0xC;
	v19 =	vadd.f32 v19, v27  }
0xd8: {  	[dreg:$0x10] =	wrdreg s12;
	v44 =	vld [tilespmem:s3+$0x0];
	s24 =	spop (v2sf);
	v16 =	vadd.f32 v16, v20;
	(v2sf) =	vpush v17, $0x9  }
0xd9: {  	s0 =	sadd.f32 s0, s5;
	v23 =	vld [tilespmem:s3+$0x440];
	s4 =	spop (v2sf);
	(v2sf) =	vpush v17, $0xA;
	v19 =	vadd.f32 v22, v19  }
0xda: {  	p0 =	seq.s32 s12, $0x2;
	s1 =	rddreg [dreg:$0x8];
	v18 =	vld [tilespmem:s3+$0x430];
	s10 =	spop (v2sf);
	v22 =	vadd.f32 v24, v29;
	(v2sf) =	vpush v17, $0x6  }
0xdb: {  	s1 =	sadd.s32 @!p0 s12, s1;
	[smem:$0x7E5] =	sst s4;
	v20 =	vld [tilespmem:s3+$0x60];
	s11 =	spop (v2sf);
	(v2sf) =	vpush v17, $0x5;
	v19 =	vadd.f32 v21, v19  }
0xdc: {  	v45 =	vmul.f32 v39, v9;
	s1 =	sshll.u32 @!p0 s1, $0xD;
	[smem:$0x7E0] =	sst s11;
	s4 =	spop (v2sf);
	v16 =	vadd.f32 v22, v16;
	v21 =	vld [tilespmem:s3+$0x30];
	(v2sf) =	vpush v17, $0x3  }
0xdd: {  	v46 =	vmul.f32 v43, v4;
	s1 =	sand.u32 @!p0 $0x1FFFE000, s1;
	v25 =	vmul.f32 v37, v13;
	[smem:$0x7E1] =	sst s4;
	s13 =	spop (v2sf);
	v22 =	vld [tilespmem:s3+$0x20];
	(v2sf) =	vpush v17, $0x1  }
0xde: {  	v23 =	vmul.f32 v23, v12;
	s4 =	simm.s32 @!p0 $0x100;
	s11 =	spop (v2sf);
	v16 =	vadd.f32 v16, v19;
	v19 =	vld [tilespmem:s3+$0x10];
	s3 =	rddreg [dreg:$0x1];
	(v2sf) =	vpush v17, $0x2  }
0xdf: {  	v47 =	vmul.f32 v44, v0;
	v27 =	vmul.f32 v40, v8;
	s14 =	spop (v2sf);
	s1 =	sadd.s32 @!p0 s3, s1;
	s3 =	simm.s32 @!p0 $0x0;
	(v2sf) =	vpush v17, $0x4  }
0xe0: {  	v24 =	vmul.f32 v42, v5;
	v23 =	vadd.f32 v25, v23;
	[tilespmem:s4], [sflag:$0x1] =	stream.linear.gather @!p0 [hbm4b:s1+s3], $0x8000, $0x38;
	(v2sf) =	vpush v17, $0x0;
	[tilespmem:$0x10200] =	vst v63  }
0xe1: {  	[dreg:$0x1a] =	wrdreg s17;
	v28 =	vmul.f32 v36, v15;
	v25 =	vadd.f32 v45, v27;
	(v2sf) =	vpush v17, $0x8;
	s15 =	spop (v2sf)  }
0xe2: {  	[smem:$0x7DD] =	sst s18;
	v24 =	vadd.f32 v24, v46;
	v17 =	vmul.f32 v32, v14;
	(v2sf) =	vpush v16, $0xF;
	s16 =	spop (v2sf)  }
0xe3: {  	[smem:$0x7E4] =	sst s19;
	v22 =	vmul.f32 v22, v2;
	v21 =	vmul.f32 v21, v3;
	(v2sf) =	vpush v16, $0xD;
	s17 =	spop (v2sf)  }
0xe4: {  	[smem:$0x7DC] =	sst s20;
	v18 =	vmul.f32 v18, v11;
	v17 =	vadd.f32 v28, v17;
	(v2sf) =	vpush v16, $0xE;
	s18 =	spop (v2sf)  }
0xe5: {  	[smem:$0x7DE] =	sst s21;
	v19 =	vmul.f32 v19, v1;
	v21 =	vadd.f32 v21, v22;
	(v2sf) =	vpush v16, $0x3;
	s19 =	spop (v2sf)  }
0xe6: {  	[smem:$0x7E2] =	sst s24;
	v17 =	vadd.f32 v17, v23;
	v23 =	vmul.f32 v38, v10;
	(v2sf) =	vpush v16, $0x0;
	s21 =	spop (v2sf)  }
0xe7: {  	[smem:$0x7DF] =	sst s10;
	v20 =	vmul.f32 v20, v6;
	v19 =	vadd.f32 v19, v47;
	(v2sf) =	vpush v16, $0x5;
	s20 =	spop (v2sf)  }
0xe8: {  	[smem:$0x7E9] =	sst s17;
	v18 =	vadd.f32 v18, v23;
	v23 =	vmul.f32 v41, v7;
	(v2sf) =	vpush v16, $0x2;
	s17 =	spop (v2sf)  }
0xe9: {  	[smem:$0x7E8] =	sst s18;
	v19 =	vadd.f32 v21, v19;
	(v2sf) =	vpush v16, $0x1;
	s18 =	spop (v2sf)  }
0xea: {  	[smem:$0x7EC] =	sst s20;
	v20 =	vadd.f32 v23, v20;
	(v2sf) =	vpush v16, $0x7;
	s20 =	spop (v2sf)  }
0xeb: {  	[smem:$0x7E7] =	sst s16;
	v18 =	vadd.f32 v18, v25;
	(v2sf) =	vpush v16, $0x8;
	s16 =	spop (v2sf)  }
0xec: {  	[smem:$0x7EA] =	sst s19;
	v20 =	vadd.f32 v20, v24;
	(v2sf) =	vpush v16, $0xB;
	s19 =	spop (v2sf)  }
0xed: {  	[smem:$0x7E3] =	sst s13;
	v17 =	vadd.f32 v17, v18;
	(v2sf) =	vpush v16, $0xA;
	s12 =	spop (v2sf)  }
0xee: {  	s1 =	sld [smem:$0x7DC];
	v19 =	vadd.f32 v20, v19;
	(v2sf) =	vpush v16, $0xC;
	s13 =	spop (v2sf)  }
0xef: {  	[smem:$0x7E6] =	sst s14;
	(v2sf) =	vpush v16, $0x6;
	s14 =	spop (v2sf)  }
0xf0: {  	[smem:$0x7EB] =	sst s15;
	v17 =	vadd.f32 v17, v19;
	(v2sf) =	vpush v16, $0x4;
	s15 =	spop (v2sf)  }
0xf1: {  	s8 =	sadd.f32 s8, s1;
	(v2sf) =	vpush v16, $0x9;
	s24 =	spop (v2sf)  }
0xf2: {  	s19 =	sadd.f32 s19, s14;
	(v2sf) =	vpush v17, $0x7;
	s3 =	spop (v2sf)  }
0xf3: {  	[smem:$0x7F0] =	sst s24;
	(v2sf) =	vpush v17, $0xF;
	s4 =	spop (v2sf)  }
0xf4: {  	[smem:$0x7F4] =	sst s3;
	(v2sf) =	vpush v17, $0xD;
	s10 =	spop (v2sf)  }
0xf5: {  	[smem:$0x7F1] =	sst s4;
	(v2sf) =	vpush v17, $0xE;
	s24 =	spop (v2sf)  }
0xf6: {  	[smem:$0x7ED] =	sst s10;
	(v2sf) =	vpush v17, $0xB;
	s3 =	spop (v2sf)  }
0xf7: {  	[smem:$0x7EE] =	sst s24;
	s24 =	spop (v2sf)  }
0xf8: {  	[smem:$0x7F8] =	sst s3;
	s4 =	spop (v2sf)  }
0xf9: {  	(v2sf) =	vpush v17, $0xC;
	[smem:$0x7EF] =	sst s4;
	s10 =	spop (v2sf)  }
0xfa: {  	[smem:$0x7F6] =	sst s10;
	s3 =	spop (v2sf)  }
0xfb: {  	(v2sf) =	vpush v17, $0x9;
	[smem:$0x7FA] =	sst s3;
	s4 =	spop (v2sf)  }
0xfc: {  	[smem:$0x7F2] =	sst s4;
	s10 =	spop (v2sf)  }
0xfd: {  	(v2sf) =	vpush v17, $0xA;
	[smem:$0x7F3] =	sst s10;
	s3 =	spop (v2sf)  }
0xfe: {  	(v2sf) =	vpush v17, $0x6;
	[smem:$0x7F5] =	sst s3;
	s4 =	spop (v2sf)  }
0xff: {  	[smem:$0x7F7] =	sst s4;
	s10 =	spop (v2sf)  }
0x100: {  	(v2sf) =	vpush v17, $0x5;
	[smem:$0x7F9] =	sst s10;
	s3 =	spop (v2sf)  }
0x101: {  	[smem:$0x7FB] =	sst s3;
	s4 =	spop (v2sf)  }
0x102: {  	[dreg:$0x13] =	wrdreg s4;
	s10 =	spop (v2sf)  }
0x103: {  	[smem:$0x7FC] =	sst s10;
	s3 =	spop (v2sf)  }
0x104: {  	[dreg:$0x1d] =	wrdreg s3;
	s4 =	spop (v2sf)  }
0x105: {  	(v2sf) =	vpush v17, $0x3;
	[smem:$0x7FD] =	sst s4;
	s10 =	spop (v2sf)  }
0x106: {  	[dreg:$0x1c] =	wrdreg s10  }
0x107: {  	(v2sf) =	vpush v17, $0x1;
	s10 =	sadd.f32 s2, s9  }
0x108: {  	s3 =	spop (v2sf);
	s9 =	sadd.f32 s0, s7  }
0x109: {  	(v2sf) =	vpush v17, $0x2;
	[dreg:$0x1f] =	wrdreg s3  }
0x10a: {  	s4 =	spop (v2sf);
	s3 =	sld [smem:$0x7DD]  }
0x10b: {  	[dreg:$0x11] =	wrdreg s4  }
0x10c: {  	s5 =	spop (v2sf);
	s4 =	sld [smem:$0x7DE]  }
0x10d: {  	(v2sf) =	vpush v17, $0x4;
	[dreg:$0x1e] =	wrdreg s5;
	s7 =	spop (v2sf)  }
0x10e: {  	[dreg:$0x19] =	wrdreg s7  }
0x10f: {  	s2 =	spop (v2sf);
	s7 =	rddreg [dreg:$0x1a]  }
0x110: {  	(v2sf) =	vpush v17, $0x0;
	[dreg:$0x14] =	wrdreg s2  }
0x111: {  	s4 =	sadd.f32 s4, s3  }
0x112: {  	s2 =	sadd.f32 s6, s7  }
0x113: {  	(v2sf) =	vpush v17, $0x8;
	s3 =	sld [smem:$0x7DF]  }
0x114: {  	s5 =	spop (v2sf);
	s7 =	sld [smem:$0x7E1]  }
0x115: {  	[dreg:$0x17] =	wrdreg s5  }
0x116: {  	s1 =	spop (v2sf);
	s5 =	sld [smem:$0x7E0]  }
0x117: {  	[dreg:$0x12] =	wrdreg s1  }
0x118: {  	s6 =	spop (v2sf);
	s4 =	sadd.f32 s8, s4  }
0x119: {  	[dreg:$0x1b] =	wrdreg s6  }
0x11a: {  	s1 =	sadd.f32 s26, s7  }
0x11b: {  	s6 =	sld [smem:$0x7E3]  }
0x11c: {  	s26 =	spop (v2sf);
	s3 =	sadd.f32 s3, s5  }
0x11d: {  	[dreg:$0x18] =	wrdreg s26  }
0x11e: {  	s5 =	sld [smem:$0x7E2]  }
0x11f: {  	s7 =	spop (v2sf);
	s26 =	sld [smem:$0x7E4]  }
0x120: {  	[dreg:$0x16] =	wrdreg s7  }
0x121: {  	s0 =	simm.s32 $0x2;
	s7 =	simm.s32 $0x0;
	s5 =	sadd.f32 s5, s6  }
0x122: {  	s11 =	sadd.f32 s26, s11;
	s6 =	spop (v2sf);
	s26 =	simm.s32 $0x0  }
0x123: {  	[dreg:$0x15] =	wrdreg s6;
	s6 =	sand.u32 $0x7800, s7;
	s7 =	sand.u32 $0x300, s26  }
0x124: {  	_ =	swait.ge [sflag:s0], $0x8000;
	s26 =	sor.u32 $0x8100, s6;
	s6 =	sadd.f32 s2, s1  }
0x125: {  	s2 =	sld [smem:$0x7E5]  }
0x126: {  	s1 =	sadd.s32 s7, s26;
	s7 =	sld [smem:$0x7E6]  }
0x127: {  	s8 =	sld [smem:$0x7E9]  }
0x128: {  	[sflag:s0] =	ssyncset.done $0x0;
	s14 =	sld [smem:$0x7F2]  }
0x129: {  	[sflag:s0] =	ssyncadd.s32 $0xFFFF8000;
	s0 =	sadd.f32 s5, s11  }
0x12a: {  	s11 =	sadd.f32 s10, s9  }
0x12b: {  	s9 =	sld [smem:$0x7EA]  }
0x12c: {  	s10 =	sld [smem:$0x7EB]  }
0x12d: {  	s2 =	sadd.f32 s7, s2  }
0x12e: {  	s7 =	sld [smem:$0x7E8]  }
0x12f: {  	s3 =	sadd.f32 s3, s2  }
0x130: {  	s2 =	sadd.f32 s0, s4  }
0x131: {  	s5 =	sadd.f32 s6, s3  }
0x132: {  	s6 =	sld [smem:$0x7E7]  }
0x133: {  	s3 =	sadd.f32 s9, s17  }
0x134: {  	s17 =	sadd.f32 s16, s12  }
0x135: {  	s9 =	sld [smem:$0x7EE]  }
0x136: {  	s12 =	sld [smem:$0x7F0]  }
0x137: {  	s16 =	sld [smem:$0x7F4]  }
0x138: {  	s4 =	sadd.f32 s5, s2  }
0x139: {  	v16 =	vld [tilespmem:s1+$0x470];
	s2 =	sadd.f32 s8, s21  }
0x13a: {  	v17 =	vld [tilespmem:s1+$0x60];
	s5 =	sadd.f32 s17, s19  }
0x13b: {  	v18 =	vld [tilespmem:s1+$0x70];
	s8 =	sld [smem:$0x7ED]  }
0x13c: {  	v19 =	vld [tilespmem:s1+$0x50];
	s17 =	sld [smem:$0x7F5]  }
0x13d: {  	v20 =	vld [tilespmem:s1+$0x20];
	s19 =	sld [smem:$0x7F7]  }
0x13e: {  	v21 =	vld [tilespmem:s1+$0x40];
	s21 =	simm.s32 $0x80;
	s0 =	sadd.f32 s6, s7  }
0x13f: {  	v22 =	vld [tilespmem:s1+$0x30];
	s6 =	sand.u32 $0x380, s21;
	s21 =	sld [smem:$0x7F9]  }
0x140: {  	v23 =	vld [tilespmem:s1+$0x430];
	s0 =	sadd.f32 s0, s2  }
0x141: {  	v48 =	vld [tilespmem:s1+$0x410];
	s2 =	sadd.f32 s10, s18  }
0x142: {  	v49 =	vld [tilespmem:s1+$0x420];
	s18 =	sadd.f32 s20, s13  }
0x143: {  	v50 =	vld [tilespmem:s1+$0x10];
	s20 =	sld [smem:$0x7EC]  }
0x144: {  	v51 =	vld [tilespmem:s1+$0x440];
	s10 =	sld [smem:$0x7EF]  }
0x145: {  	v52 =	vld [tilespmem:s1+$0x460];
	s13 =	sld [smem:$0x7F1]  }
0x146: {  	v53 =	vld [tilespmem:s1+$0x400];
	s2 =	sadd.f32 s2, s18  }
0x147: {  	v54 =	vld [tilespmem:s1+$0x450];
	s18 =	sld [smem:$0x7F6]  }
0x148: {  	v55 =	vld [tilespmem:s1+$0x0];
	s1 =	sadd.f32 s20, s15  }
0x149: {  	s15 =	sld [smem:$0x7F3]  }
0x14a: {  	s20 =	sld [smem:$0x7F8]  }
0x14b: {  	s1 =	sadd.f32 s3, s1  }
0x14c: {  	s3 =	sadd.s32 s6, s26;
	s6 =	sadd.f32 s12, s13  }
0x14d: {  	s26 =	sld [smem:$0x7FB]  }
0x14e: {  	s12 =	rddreg [dreg:$0x1b]  }
0x14f: {  	s7 =	sadd.f32 s14, s15  }
0x150: {  	s1 =	sadd.f32 s0, s1  }
0x151: {  	s0 =	sadd.f32 s2, s5  }
0x152: {  	s2 =	sadd.f32 s8, s24  }
0x153: {  	s5 =	sadd.f32 s10, s9  }
0x154: {  	v16 =	vmul.f32 v16, v15;
	s8 =	sadd.f32 s16, s17  }
0x155: {  	v17 =	vmul.f32 v17, v6;
	v19 =	vmul.f32 v19, v5;
	s9 =	sadd.f32 s18, s19  }
0x156: {  	v21 =	vmul.f32 v21, v4;
	v22 =	vmul.f32 v22, v3;
	s10 =	sadd.f32 s20, s21  }
0x157: {  	v24 =	vmul.f32 v48, v9;
	v18 =	vmul.f32 v18, v7;
	s24 =	sld [smem:$0x7FA]  }
0x158: {  	v25 =	vmul.f32 v49, v10;
	v26 =	vmul.f32 v50, v1;
	s16 =	sld [smem:$0x7FC]  }
0x159: {  	v23 =	vmul.f32 v23, v11;
	v20 =	vmul.f32 v20, v2;
	s17 =	sld [smem:$0x7FD]  }
0x15a: {  	v56 =	vmul.f32 v52, v14;
	v57 =	vmul.f32 v53, v8;
	v19 =	vadd.f32 v19, v21;
	s19 =	rddreg [dreg:$0x1d]  }
0x15b: {  	v21 =	vmul.f32 v51, v12;
	v20 =	vadd.f32 v22, v20;
	v22 =	vmul.f32 v54, v13;
	s20 =	rddreg [dreg:$0x1f]  }
0x15c: {  	v17 =	vadd.f32 v18, v17;
	v18 =	vmul.f32 v55, v0;
	v23 =	vadd.f32 v23, v25;
	v58 =	vld [tilespmem:s3+$0x470];
	s6 =	sadd.f32 s6, s8  }
0x15d: {  	v24 =	vadd.f32 v24, v57;
	v16 =	vadd.f32 v16, v56;
	v59 =	vld [tilespmem:s3+$0x460];
	s2 =	sadd.f32 s2, s5  }
0x15e: {  	v21 =	vadd.f32 v22, v21;
	v18 =	vadd.f32 v26, v18;
	v22 =	vld [tilespmem:s3+$0x450];
	s14 =	sadd.f32 s9, s10  }
0x15f: {  	v17 =	vadd.f32 v17, v19;
	v19 =	vadd.f32 v23, v24;
	v60 =	vld [tilespmem:s3+$0x440];
	s0 =	sadd.f32 s1, s0  }
0x160: {  	v18 =	vadd.f32 v20, v18;
	v16 =	vadd.f32 v16, v21;
	v23 =	vld [tilespmem:s3+$0x430];
	s9 =	rddreg [dreg:$0x13]  }
0x161: {  	v20 =	vld [tilespmem:s3+$0x420];
	s10 =	rddreg [dreg:$0x19]  }
0x162: {  	v17 =	vadd.f32 v17, v18;
	v16 =	vadd.f32 v16, v19;
	v21 =	vld [tilespmem:s3+$0x410];
	s8 =	sadd.f32 s26, s24  }
0x163: {  	v18 =	vld [tilespmem:s3+$0x400];
	s15 =	sadd.s32 s28, s25;
	s24 =	rddreg [dreg:$0x1c]  }
0x164: {  	v16 =	vadd.f32 v16, v17;
	v19 =	vld [tilespmem:s3+$0x70];
	s18 =	simm.s32 $0x200;
	s1 =	sadd.s32 $0xA000, s15;
	s26 =	rddreg [dreg:$0x1e]  }
0x165: {  	v17 =	vld [tilespmem:s3+$0x60];
	s23 =	smov.u32 @p1 s1;
	s1 =	sand.u32 $0x7800, s18;
	s18 =	rddreg [dreg:$0x11]  }
0x166: {  	v63 =	vld [tilespmem:s3+$0x50];
	(v2sf) =	vpush v16, $0x1;
	s2 =	sadd.f32 s14, s2  }
0x167: {  	s22 =	smov.u32 @p1 s31;
	v34 =	vld [tilespmem:s3+$0x30];
	(v2sf) =	vpush v16, $0xA;
	v61 =	vmul.f32 v59, v14;
	v62 =	vmul.f32 v58, v15;
	s14 =	rddreg [dreg:$0x14]  }
0x168: {  	v37 =	vld [tilespmem:s3+$0x0];
	(v2sf) =	vpush v16, $0xF;
	p1 =	sgt.f32 s11, s22;
	v22 =	vmul.f32 v22, v13;
	v26 =	vmul.f32 v60, v12;
	s13 =	sadd.f32 s7, s8  }
0x169: {  	v33 =	vld [tilespmem:s3+$0x40];
	(v2sf) =	vpush v16, $0xE;
	v23 =	vmul.f32 v23, v11;
	v20 =	vmul.f32 v20, v10;
	s8 =	sadd.f32 s24, s26  }
0x16a: {  	v35 =	vld [tilespmem:s3+$0x20];
	v21 =	vmul.f32 v21, v9;
	v18 =	vmul.f32 v18, v8;
	(v2sf) =	vpush v16, $0xB;
	s22 =	smov.u32 @p1 s11;
	s11 =	rddreg [dreg:$0x17]  }
0x16b: {  	v36 =	vld [tilespmem:s3+$0x10];
	v19 =	vmul.f32 v19, v7;
	v17 =	vmul.f32 v17, v6;
	(v2sf) =	vpush v16, $0x0;
	s7 =	sadd.s32 $0xA001, s15;
	s15 =	rddreg [dreg:$0x18]  }
0x16c: {  	v38 =	vmul.f32 v34, v3;
	v24 =	vadd.f32 v62, v61;
	v22 =	vadd.f32 v22, v26;
	s5 =	sadd.f32 s6, s13  }
0x16d: {  	v39 =	vmul.f32 v37, v0;
	v20 =	vadd.f32 v23, v20;
	v18 =	vadd.f32 v21, v18;
	s23 =	smov.u32 @p1 s7;
	s7 =	sadd.f32 s11, s12  }
0x16e: {  	s21 =	simm.s32 $0x100;
	v21 =	vmul.f32 v63, v5;
	(v2sf) =	vpush v16, $0x5;
	v23 =	vmul.f32 v33, v4;
	s3 =	sadd.f32 s5, s2  }
0x16f: {  	s1 =	sor.u32 $0x8100, s1;
	v17 =	vadd.f32 v19, v17;
	v19 =	vmul.f32 v35, v2;
	(v2sf) =	vpush v16, $0xD;
	s6 =	sand.u32 $0x300, s21;
	s2 =	sadd.f32 s16, s17  }
0x170: {  	v40 =	vmul.f32 v36, v1;
	(v2sf) =	vpush v16, $0x8;
	v21 =	vadd.f32 v21, v23;
	s6 =	sadd.s32 s6, s1;
	s5 =	sadd.f32 s19, s20  }
0x171: {  	v19 =	vadd.f32 v38, v19;
	v18 =	vadd.f32 v20, v18;
	v20 =	vld [tilespmem:s6+$0x470];
	s16 =	rddreg [dreg:$0x12]  }
0x172: {  	v23 =	vadd.f32 v40, v39;
	(v2sf) =	vpush v16, $0x7;
	s17 =	rddreg [dreg:$0x16];
	v41 =	vld [tilespmem:s6+$0x50]  }
0x173: {  	v22 =	vadd.f32 v24, v22;
	s19 =	rddreg [dreg:$0x15];
	v42 =	vld [tilespmem:s6+$0x410];
	(v2sf) =	vpush v16, $0x2  }
0x174: {  	v43 =	vld [tilespmem:s6+$0x420];
	v17 =	vadd.f32 v17, v21;
	v19 =	vadd.f32 v19, v23;
	s11 =	sadd.f32 s16, s17  }
0x175: {  	p2 =	sgt.f32 s4, s22;
	v44 =	vld [tilespmem:s6+$0x10];
	v18 =	vadd.f32 v22, v18;
	s2 =	sadd.f32 s2, s5;
	(v2sf) =	vpush v16, $0x4  }
0x176: {  	s13 =	sadd.s32 s30, s25;
	v45 =	vld [tilespmem:s6+$0x440];
	s5 =	sadd.f32 s9, s10;
	(v2sf) =	vpush v16, $0xC;
	v17 =	vadd.f32 v17, v19  }
0x177: {  	s22 =	smov.u32 @p2 s4;
	v46 =	vld [tilespmem:s6+$0x400];
	s9 =	sadd.f32 s14, s15;
	s10 =	sadd.s32 $0xA000, s13;
	(v2sf) =	vpush v16, $0x3  }
0x178: {  	p1 =	sgt.f32 s0, s22;
	v50 =	vld [tilespmem:s6+$0x460];
	s23 =	smov.u32 @p2 s10;
	s10 =	sadd.f32 s18, s19;
	(v2sf) =	vpush v16, $0x9;
	v17 =	vadd.f32 v18, v17  }
0x179: {  	v21 =	vld [tilespmem:s6+$0x60];
	s20 =	sadd.f32 s7, s11;
	(v2sf) =	vpush v16, $0x6;
	s24 =	spop (v2sf)  }
0x17a: {  	v22 =	vld [tilespmem:s6+$0x40];
	s5 =	sadd.f32 s5, s9;
	(v2sf) =	vpush v17, $0xF;
	s26 =	spop (v2sf)  }
0x17b: {  	v23 =	vld [tilespmem:s6+$0x70];
	s22 =	smov.u32 @p1 s0;
	s21 =	sadd.f32 s8, s10;
	v20 =	vmul.f32 v20, v15;
	v24 =	vmul.f32 v41, v5;
	(v2sf) =	vpush v17, $0xC;
	s8 =	spop (v2sf)  }
0x17c: {  	s0 =	sadd.s32 $0xA001, s13;
	v19 =	vld [tilespmem:s6+$0x20];
	v47 =	vmul.f32 v42, v9;
	v26 =	vmul.f32 v43, v10;
	s4 =	sadd.f32 s5, s20;
	(v2sf) =	vpush v17, $0xE;
	s9 =	spop (v2sf)  }
0x17d: {  	v49 =	vld [tilespmem:s6+$0x0];
	s23 =	smov.u32 @p1 s0;
	v27 =	vmul.f32 v44, v1;
	v28 =	vmul.f32 v45, v12;
	s0 =	sadd.f32 s2, s21;
	(v2sf) =	vpush v17, $0xD;
	s11 =	spop (v2sf)  }
0x17e: {  	s12 =	sadd.s32 s29, s25;
	p1 =	sgt.f32 s3, s22;
	v29 =	vmul.f32 v46, v8;
	v51 =	vmul.f32 v50, v14;
	v16 =	vld [tilespmem:s6+$0x30];
	(v2sf) =	vpush v17, $0xB;
	s13 =	spop (v2sf)  }
0x17f: {  	s18 =	simm.s32 $0x180;
	v18 =	vld [tilespmem:s6+$0x430];
	v22 =	vmul.f32 v22, v4;
	v21 =	vmul.f32 v21, v6;
	s0 =	sadd.f32 s0, s4;
	(v2sf) =	vpush v17, $0x7;
	s14 =	spop (v2sf)  }
0x180: {  	v48 =	vld [tilespmem:s6+$0x450];
	s22 =	smov.u32 @p1 s3;
	v23 =	vmul.f32 v23, v7;
	v20 =	vadd.f32 v20, v51;
	s5 =	sadd.f32 s8, s9;
	(v2sf) =	vpush v17, $0x3;
	s15 =	spop (v2sf)  }
0x181: {  	s10 =	sadd.s32 $0xA000, s12;
	v22 =	vadd.f32 v24, v22;
	v19 =	vmul.f32 v19, v2;
	p2 =	sgt.f32 s0, s22;
	(v2sf) =	vpush v17, $0x0;
	s16 =	spop (v2sf)  }
0x182: {  	s23 =	smov.u32 @p1 s10;
	v21 =	vadd.f32 v23, v21;
	v23 =	vmul.f32 v49, v0;
	s2 =	sadd.f32 s11, s26;
	(v2sf) =	vpush v17, $0x5;
	s17 =	spop (v2sf)  }
0x183: {  	v24 =	vadd.f32 v47, v29;
	v16 =	vmul.f32 v16, v3;
	s22 =	smov.u32 @p2 s0;
	s0 =	sadd.s32 $0xA001, s12;
	(v2sf) =	vpush v17, $0xA;
	s19 =	spop (v2sf)  }
0x184: {  	v18 =	vmul.f32 v18, v11;
	v23 =	vadd.f32 v27, v23;
	s23 =	smov.u32 @p2 s0;
	s0 =	sand.u32 $0x380, s18;
	(v2sf) =	vpush v17, $0x2;
	s20 =	spop (v2sf)  }
0x185: {  	s7 =	sadd.f32 s24, s13;
	v16 =	vadd.f32 v16, v19;
	v19 =	vmul.f32 v48, v13;
	s0 =	sadd.s32 s0, s1;
	(v2sf) =	vpush v17, $0x4;
	s21 =	spop (v2sf)  }
0x186: {  	v21 =	vadd.f32 v21, v22;
	v18 =	vadd.f32 v18, v26;
	v52 =	vld [tilespmem:s0+$0x470];
	s24 =	sadd.f32 s14, s20;
	s11 =	spop (v2sf)  }
0x187: {  	v19 =	vadd.f32 v19, v28;
	v22 =	vld [tilespmem:s0+$0x450];
	(v2sf) =	vpush v17, $0x6;
	s10 =	sadd.f32 s15, s21;
	s12 =	spop (v2sf)  }
0x188: {  	v16 =	vadd.f32 v16, v23;
	v23 =	vld [tilespmem:s0+$0x440];
	(v2sf) =	vpush v17, $0x1;
	s8 =	sadd.f32 s11, s19;
	s13 =	spop (v2sf)  }
0x189: {  	v19 =	vadd.f32 v20, v19;
	v20 =	vld [tilespmem:s0+$0x430];
	s3 =	sadd.f32 s12, s16;
	s14 =	spop (v2sf)  }
0x18a: {  	v18 =	vadd.f32 v18, v24;
	v16 =	vadd.f32 v21, v16;
	v21 =	vld [tilespmem:s0+$0x420];
	s5 =	sadd.f32 s5, s10;
	s15 =	spop (v2sf)  }
0x18b: {  	v53 =	vld [tilespmem:s0+$0x460];
	(v2sf) =	vpush v17, $0x9;
	s7 =	sadd.f32 s8, s7;
	s16 =	spop (v2sf)  }
0x18c: {  	v57 =	vld [tilespmem:s0+$0x50];
	v18 =	vadd.f32 v19, v18;
	s6 =	sadd.f32 s17, s13;
	(v2sf) =	vpush v17, $0x8;
	s26 =	spop (v2sf)  }
0x18d: {  	v58 =	vld [tilespmem:s0+$0x40];
	v22 =	vmul.f32 v22, v13;
	v23 =	vmul.f32 v23, v12;
	s2 =	sadd.f32 s2, s3;
	s11 =	spop (v2sf)  }
0x18e: {  	v19 =	vld [tilespmem:s0+$0x410];
	v16 =	vadd.f32 v18, v16;
	s4 =	sadd.f32 s6, s24;
	s12 =	spop (v2sf)  }
0x18f: {  	v20 =	vmul.f32 v20, v11;
	v21 =	vmul.f32 v21, v10;
	v22 =	vadd.f32 v22, v23;
	v23 =	vld [tilespmem:s0+$0x30];
	s5 =	sadd.f32 s5, s2;
	s17 =	spop (v2sf)  }
0x190: {  	v54 =	vmul.f32 v53, v14;
	v17 =	vld [tilespmem:s0+$0x400];
	(v2sf) =	vpush v16, $0x1;
	s10 =	sadd.f32 s14, s16;
	s18 =	spop (v2sf)  }
0x191: {  	v55 =	vmul.f32 v52, v15;
	v20 =	vadd.f32 v20, v21;
	v21 =	vld [tilespmem:s0+$0x20];
	s4 =	sadd.f32 s4, s7;
	(v2sf) =	vpush v16, $0xA;
	s19 =	spop (v2sf)  }
0x192: {  	v18 =	vld [tilespmem:s0+$0x70];
	s16 =	rddreg [dreg:$0xf];
	(v2sf) =	vpush v16, $0xF;
	s20 =	spop (v2sf)  }
0x193: {  	v56 =	vld [tilespmem:s0+$0x60];
	v25 =	vmul.f32 v57, v5;
	s13 =	simm.s32 $0x280;
	v24 =	vadd.f32 v55, v54;
	s5 =	sadd.f32 s5, s4;
	(v2sf) =	vpush v16, $0xE;
	s21 =	spop (v2sf)  }
0x194: {  	v61 =	vld [tilespmem:s0+$0x0];
	v62 =	vmul.f32 v58, v4;
	v19 =	vmul.f32 v19, v9;
	s2 =	sadd.f32 s26, s15;
	s28 =	sadd.s32 $0x2, s16;
	s24 =	spop (v2sf);
	(v2sf) =	vpush v16, $0xB  }
0x195: {  	s30 =	smov.u32 s16;
	v59 =	vmul.f32 v17, v8;
	v17 =	vadd.f32 v24, v22;
	v22 =	vld [tilespmem:s0+$0x10];
	p1 =	sgt.f32 s5, s22;
	s9 =	sadd.f32 s11, s20;
	(v2sf) =	vpush v16, $0x0  }
0x196: {  	s29 =	smov.u32 s28;
	v23 =	vmul.f32 v23, v3;
	v21 =	vmul.f32 v21, v2;
	s3 =	sadd.f32 s17, s21;
	s26 =	spop (v2sf);
	(v2sf) =	vpush v16, $0x5  }
0x197: {  	v60 =	vmul.f32 v18, v7;
	s0 =	simm.s32 $0x400;
	v18 =	vadd.f32 v19, v59;
	s8 =	sadd.f32 s19, s24;
	s14 =	spop (v2sf);
	(v2sf) =	vpush v16, $0xD  }
0x198: {  	v19 =	vmul.f32 v56, v6;
	v21 =	vadd.f32 v23, v21;
	s11 =	simm.s32 $0x380;
	s20 =	simm.s32 $0x200;
	s6 =	sadd.f32 s12, s26;
	(v2sf) =	vpush v16, $0x8  }
0x199: {  	v63 =	vmul.f32 v61, v0;
	v18 =	vadd.f32 v20, v18;
	s17 =	sand.u32 $0x380, s13;
	s21 =	sand.u32 $0x300, s20;
	s15 =	sadd.f32 s14, s18;
	(v2sf) =	vpush v16, $0x7  }
0x19a: {  	v19 =	vadd.f32 v60, v19;
	s19 =	sand.u32 $0x7800, s0;
	v22 =	vmul.f32 v22, v1;
	s18 =	spop (v2sf);
	s6 =	sadd.f32 s6, s8;
	(v2sf) =	vpush v16, $0x2  }
0x19b: {  	v20 =	vadd.f32 v25, v62;
	s24 =	sor.u32 $0x8100, s19;
	s4 =	sadd.f32 s3, s15;
	s26 =	spop (v2sf);
	(v2sf) =	vpush v16, $0x4  }
0x19c: {  	s1 =	sadd.s32 s21, s24;
	s31 =	sadd.s32 s17, s24;
	v22 =	vadd.f32 v22, v63;
	s8 =	sadd.f32 s18, s26;
	(v2sf) =	vpush v16, $0xC  }
.LBB2_5:
0x19d: {  	s28 =	sadd.s32 $0x2, s28  }
0x19e: {  	v23 =	vld [tilespmem:s1+$0x470];
	v19 =	vadd.f32 v19, v20;
	(v2sf) =	vpush v16, $0x3;
	s22 =	smov.u32 @p1 s5;
	s7 =	smov.u32 s11;
	s3 =	sadd.s32 $0x100, s11  }
0x19f: {  	p2 =	sne.s32 s11, $0x3F80;
	v20 =	vld [tilespmem:s1+$0x60];
	v21 =	vadd.f32 v21, v22;
	s5 =	spop (v2sf);
	(v2sf) =	vpush v16, $0x9;
	s8 =	sadd.f32 s9, s8  }
0x1a0: {  	s2 =	sadd.f32 s10, s2;
	v22 =	vld [tilespmem:s1+$0x70];
	(v2sf) =	vpush v16, $0x6;
	s9 =	spop (v2sf)  }
0x1a1: {  	v17 =	vadd.f32 v17, v18;
	s4 =	sadd.f32 s6, s4;
	v16 =	vld [tilespmem:s1+$0x50];
	v19 =	vadd.f32 v19, v21;
	s10 =	spop (v2sf)  }
0x1a2: {  	s8 =	sadd.f32 s2, s8;
	v18 =	vld [tilespmem:s1+$0x20];
	s6 =	spop (v2sf)  }
0x1a3: {  	v21 =	vld [tilespmem:s1+$0x40];
	v23 =	vmul.f32 v23, v15;
	s2 =	sadd.f32 s10, s6;
	v17 =	vadd.f32 v17, v19;
	s6 =	spop (v2sf)  }
0x1a4: {  	s8 =	sadd.f32 s8, s4;
	v19 =	vld [tilespmem:s1+$0x30];
	v20 =	vmul.f32 v20, v6;
	s10 =	spop (v2sf)  }
0x1a5: {  	v24 =	vld [tilespmem:s1+$0x430];
	s4 =	sadd.f32 s5, s10;
	s10 =	spop (v2sf);
	(v2sf) =	vpush v17, $0xF  }
0x1a6: {  	p3 =	sgt.f32 s8, s22;
	v16 =	vmul.f32 v16, v5;
	v25 =	vld [tilespmem:s1+$0x410];
	s11 =	spop (v2sf);
	(v2sf) =	vpush v17, $0xC  }
0x1a7: {  	s23 =	smov.u32 @p1 s30;
	s5 =	sadd.s32 $0x1, s30;
	v26 =	vld [tilespmem:s1+$0x420];
	s12 =	spop (v2sf);
	(v2sf) =	vpush v17, $0xE  }
0x1a8: {  	s30 =	smov.u32 s29;
	s22 =	smov.u32 @p3 s8;
	s23 =	smov.u32 @p3 s5;
	v27 =	vld [tilespmem:s1+$0x10];
	v21 =	vmul.f32 v21, v4;
	(v2sf) =	vpush v17, $0xD  }
0x1a9: {  	s29 =	smov.u32 s28;
	s5 =	sadd.f32 s6, s9;
	v28 =	vld [tilespmem:s1+$0x440];
	s6 =	spop (v2sf);
	(v2sf) =	vpush v17, $0xB  }
0x1aa: {  	v19 =	vmul.f32 v19, v3;
	v29 =	vld [tilespmem:s1+$0x460];
	v16 =	vadd.f32 v16, v21;
	s8 =	spop (v2sf);
	(v2sf) =	vpush v17, $0x7  }
0x1ab: {  	v21 =	vld [tilespmem:s1+$0x400];
	v25 =	vmul.f32 v25, v9;
	s9 =	spop (v2sf);
	(v2sf) =	vpush v17, $0x3  }
0x1ac: {  	v22 =	vmul.f32 v22, v7;
	v26 =	vmul.f32 v26, v10;
	v30 =	vld [tilespmem:s1+$0x450];
	s13 =	spop (v2sf);
	(v2sf) =	vpush v17, $0x0  }
0x1ad: {  	v24 =	vmul.f32 v24, v11;
	s9 =	sadd.f32 s10, s9;
	v31 =	vld [tilespmem:s1+$0x0];
	v27 =	vmul.f32 v27, v1;
	s1 =	spop (v2sf);
	(v2sf) =	vpush v17, $0x5  }
0x1ae: {  	v18 =	vmul.f32 v18, v2;
	s1 =	sadd.f32 s1, s8;
	s8 =	spop (v2sf);
	(v2sf) =	vpush v17, $0xA  }
0x1af: {  	v28 =	vmul.f32 v28, v12;
	v29 =	vmul.f32 v29, v14;
	s8 =	sadd.f32 s8, s12;
	s10 =	spop (v2sf);
	(v2sf) =	vpush v17, $0x2  }
0x1b0: {  	v18 =	vadd.f32 v19, v18;
	s11 =	sadd.f32 s11, s13;
	v21 =	vmul.f32 v21, v8;
	(v2sf) =	vpush v17, $0x4  }
0x1b1: {  	v20 =	vadd.f32 v22, v20;
	s12 =	sadd.f32 s1, s4;
	v19 =	vmul.f32 v30, v13;
	(v2sf) =	vpush v17, $0x6  }
0x1b2: {  	v24 =	vadd.f32 v24, v26;
	s2 =	sadd.f32 s2, s11;
	v22 =	vmul.f32 v31, v0;
	(v2sf) =	vpush v17, $0x1  }
0x1b3: {  	s4 =	sadd.f32 s6, s10;
	v21 =	vadd.f32 v25, v21;
	v19 =	vadd.f32 v19, v28;
	v25 =	vld [tilespmem:s31+$0x470]  }
0x1b4: {  	v23 =	vadd.f32 v23, v29;
	s5 =	sadd.f32 s5, s8;
	v22 =	vadd.f32 v27, v22;
	v26 =	vld [tilespmem:s31+$0x460];
	s1 =	spop (v2sf)  }
0x1b5: {  	v16 =	vadd.f32 v20, v16;
	s6 =	sadd.f32 s4, s9;
	v20 =	vadd.f32 v24, v21;
	v21 =	vld [tilespmem:s31+$0x450];
	s8 =	spop (v2sf)  }
0x1b6: {  	s5 =	sadd.f32 s2, s5;
	v19 =	vadd.f32 v23, v19;
	v18 =	vadd.f32 v18, v22;
	v22 =	vld [tilespmem:s31+$0x440];
	s4 =	spop (v2sf)  }
0x1b7: {  	s6 =	sadd.f32 s6, s12;
	v23 =	vld [tilespmem:s31+$0x430];
	(v2sf) =	vpush v17, $0x9;
	s2 =	spop (v2sf)  }
0x1b8: {  	v16 =	vadd.f32 v16, v18;
	v18 =	vadd.f32 v19, v20;
	v19 =	vld [tilespmem:s31+$0x420];
	s2 =	sadd.f32 s2, s8;
	s8 =	spop (v2sf)  }
0x1b9: {  	s5 =	sadd.f32 s5, s6;
	v25 =	vmul.f32 v25, v15;
	v20 =	vld [tilespmem:s31+$0x410];
	v24 =	vmul.f32 v26, v14;
	s6 =	spop (v2sf);
	(v2sf) =	vpush v17, $0x8  }
0x1ba: {  	v16 =	vadd.f32 v18, v16;
	v17 =	vld [tilespmem:s31+$0x400];
	v18 =	vmul.f32 v21, v13;
	s10 =	spop (v2sf)  }
0x1bb: {  	p1 =	sgt.f32 s5, s22;
	v21 =	vld [tilespmem:s31+$0x70];
	v22 =	vmul.f32 v22, v12;
	v24 =	vadd.f32 v25, v24;
	s11 =	spop (v2sf)  }
0x1bc: {  	v25 =	vld [tilespmem:s31+$0x60];
	v23 =	vmul.f32 v23, v11;
	(v2sf) =	vpush v16, $0x1;
	s12 =	spop (v2sf)  }
0x1bd: {  	v26 =	vld [tilespmem:s31+$0x50];
	v19 =	vmul.f32 v19, v10;
	v18 =	vadd.f32 v18, v22;
	(v2sf) =	vpush v16, $0xA;
	s9 =	spop (v2sf)  }
0x1be: {  	v22 =	vld [tilespmem:s31+$0x40];
	v20 =	vmul.f32 v20, v9;
	(v2sf) =	vpush v16, $0xF;
	s9 =	sadd.f32 s8, s9;
	s8 =	spop (v2sf)  }
0x1bf: {  	v27 =	vld [tilespmem:s31+$0x30];
	v28 =	vmul.f32 v17, v8;
	v19 =	vadd.f32 v23, v19;
	(v2sf) =	vpush v16, $0xE;
	s8 =	sadd.f32 s10, s8;
	s13 =	spop (v2sf)  }
0x1c0: {  	v17 =	vadd.f32 v24, v18;
	v23 =	vld [tilespmem:s31+$0x20];
	v21 =	vmul.f32 v21, v7;
	(v2sf) =	vpush v16, $0xB;
	s14 =	spop (v2sf)  }
0x1c1: {  	v24 =	vld [tilespmem:s31+$0x10];
	v25 =	vmul.f32 v25, v6;
	v18 =	vadd.f32 v20, v28;
	(v2sf) =	vpush v16, $0x0;
	s15 =	spop (v2sf)  }
0x1c2: {  	s10 =	sadd.f32 s1, s4;
	v28 =	vld [tilespmem:s31+$0x0];
	v20 =	vmul.f32 v26, v5;
	(v2sf) =	vpush v16, $0x5  }
0x1c3: {  	s0 =	sadd.s32 $0x200, s0;
	s1 =	sadd.f32 s12, s13;
	v22 =	vmul.f32 v22, v4;
	v18 =	vadd.f32 v19, v18;
	(v2sf) =	vpush v16, $0xD  }
0x1c4: {  	s12 =	sand.u32 $0x7800, s0;
	s4 =	sadd.f32 s15, s11;
	v19 =	vadd.f32 v21, v25;
	(v2sf) =	vpush v16, $0x8  }
.Ltmp3:
0x1c5: {  	s6 =	sadd.f32 s6, s14;
	s11 =	sand.u32 $0x380, s7;
	v21 =	vmul.f32 v23, v2;
	v20 =	vadd.f32 v20, v22;
	(pc) =	sbr.rel @p2 .LBB2_5-.Ltmp3, $4  }
0x1c6: {  	s7 =	sadd.s32 $0xFFFFFF80, s7;
	s4 =	sadd.f32 s8, s4;
	v22 =	vmul.f32 v27, v3;
	(v2sf) =	vpush v16, $0x7;
	s8 =	spop (v2sf)  }
0x1c7: {  	s6 =	sadd.f32 s6, s1;
	s1 =	sand.u32 $0x300, s7;
	s7 =	sor.u32 $0x8100, s12;
	v24 =	vmul.f32 v24, v1;
	v23 =	vmul.f32 v28, v0;
	(v2sf) =	vpush v16, $0x2  }
0x1c8: {  	s1 =	sadd.s32 s1, s7;
	v21 =	vadd.f32 v22, v21;
	(v2sf) =	vpush v16, $0x4;
	s12 =	spop (v2sf)  }
0x1c9: {  	s31 =	sadd.s32 s11, s7;
	s11 =	smov.u32 s3;
	v22 =	vadd.f32 v24, v23;
	(v2sf) =	vpush v16, $0xC;
	s8 =	sadd.f32 s8, s12  }
0x1ca: {  	v23 =	vld [tilespmem:s1+$0x470]  }
0x1cb: {  	v24 =	vld [tilespmem:s1+$0x60]  }
0x1cc: {  	v33 =	vld [tilespmem:s1+$0x70]  }
0x1cd: {  	v34 =	vld [tilespmem:s1+$0x50]  }
0x1ce: {  	v35 =	vld [tilespmem:s1+$0x20]  }
0x1cf: {  	v36 =	vld [tilespmem:s1+$0x40]  }
0x1d0: {  	v37 =	vld [tilespmem:s1+$0x30]  }
0x1d1: {  	v25 =	vld [tilespmem:s1+$0x410]  }
0x1d2: {  	v19 =	vadd.f32 v19, v20;
	v26 =	vld [tilespmem:s1+$0x420];
	v32 =	vadd.f32 v21, v22  }
0x1d3: {  	v27 =	vld [tilespmem:s1+$0x10]  }
0x1d4: {  	v17 =	vadd.f32 v17, v18;
	v28 =	vld [tilespmem:s1+$0x440];
	v19 =	vadd.f32 v19, v32;
	v23 =	vmul.f32 v23, v15  }
0x1d5: {  	(v2sf) =	vpush v16, $0x3;
	v30 =	vld [tilespmem:s1+$0x400];
	v22 =	vmul.f32 v34, v5;
	v20 =	vmul.f32 v36, v4  }
0x1d6: {  	v39 =	vld [tilespmem:s1+$0x450];
	v17 =	vadd.f32 v17, v19;
	v24 =	vmul.f32 v24, v6;
	v19 =	vmul.f32 v37, v3  }
0x1d7: {  	v31 =	vld [tilespmem:s1+$0x0];
	(v2sf) =	vpush v16, $0x9;
	v38 =	vmul.f32 v25, v9;
	v21 =	vmul.f32 v33, v7  }
0x1d8: {  	v29 =	vld [tilespmem:s1+$0x460];
	(v2sf) =	vpush v16, $0x6;
	v26 =	vmul.f32 v26, v10;
	v18 =	vmul.f32 v35, v2  }
0x1d9: {  	s7 =	spop (v2sf);
	v16 =	vld [tilespmem:s1+$0x430];
	v27 =	vmul.f32 v27, v1;
	v28 =	vmul.f32 v28, v12;
	(v2sf) =	vpush v17, $0xF  }
0x1da: {  	s3 =	spop (v2sf);
	v30 =	vmul.f32 v30, v8;
	v20 =	vadd.f32 v22, v20;
	v18 =	vadd.f32 v19, v18  }
0x1db: {  	s0 =	spop (v2sf);
	v40 =	vmul.f32 v39, v13;
	v21 =	vadd.f32 v21, v24;
	(v2sf) =	vpush v17, $0xC  }
0x1dc: {  	v41 =	vld [tilespmem:s31+$0x470];
	s11 =	spop (v2sf);
	v42 =	vmul.f32 v31, v0;
	v22 =	vadd.f32 v38, v30;
	(v2sf) =	vpush v17, $0xE  }
0x1dd: {  	v43 =	vld [tilespmem:s31+$0x460];
	s12 =	spop (v2sf);
	v29 =	vmul.f32 v29, v14;
	v19 =	vadd.f32 v40, v28;
	(v2sf) =	vpush v17, $0xD  }
0x1de: {  	v44 =	vld [tilespmem:s31+$0x450];
	s2 =	sadd.f32 s10, s2;
	s13 =	spop (v2sf);
	v16 =	vmul.f32 v16, v11;
	v24 =	vadd.f32 v27, v42;
	(v2sf) =	vpush v17, $0xB  }
0x1df: {  	v45 =	vld [tilespmem:s31+$0x440];
	s8 =	sadd.f32 s9, s8;
	s14 =	spop (v2sf);
	v23 =	vadd.f32 v23, v29;
	(v2sf) =	vpush v17, $0x7  }
0x1e0: {  	s4 =	sadd.f32 s6, s4;
	v56 =	vld [tilespmem:s31+$0x20];
	s20 =	spop (v2sf);
	v16 =	vadd.f32 v16, v26;
	(v2sf) =	vpush v17, $0x3  }
0x1e1: {  	v57 =	vld [tilespmem:s31+$0x10];
	s2 =	sadd.f32 s2, s8;
	v20 =	vadd.f32 v21, v20;
	s21 =	spop (v2sf);
	(v2sf) =	vpush v17, $0x0  }
0x1e2: {  	v46 =	vld [tilespmem:s31+$0x430];
	s24 =	sadd.f32 s0, s11;
	v52 =	vmul.f32 v43, v14;
	v18 =	vadd.f32 v18, v24;
	s6 =	spop (v2sf);
	(v2sf) =	vpush v17, $0x5  }
0x1e3: {  	v47 =	vld [tilespmem:s31+$0x420];
	s0 =	sadd.f32 s2, s4;
	v25 =	vmul.f32 v41, v15;
	v19 =	vadd.f32 v23, v19;
	s26 =	spop (v2sf);
	(v2sf) =	vpush v17, $0xA  }
0x1e4: {  	v48 =	vld [tilespmem:s31+$0x410];
	v53 =	vmul.f32 v44, v13;
	s3 =	sadd.f32 s12, s3;
	v16 =	vadd.f32 v16, v22;
	s10 =	spop (v2sf);
	(v2sf) =	vpush v17, $0x2  }
0x1e5: {  	s22 =	smov.u32 @p1 s5;
	v50 =	vld [tilespmem:s31+$0x70];
	v60 =	vmul.f32 v56, v2;
	s11 =	sadd.f32 s7, s13;
	v18 =	vadd.f32 v20, v18;
	s13 =	spop (v2sf);
	(v2sf) =	vpush v17, $0x4  }
0x1e6: {  	v49 =	vld [tilespmem:s31+$0x400];
	v61 =	vmul.f32 v57, v1;
	p2 =	sgt.f32 s0, s22;
	v16 =	vadd.f32 v19, v16;
	s15 =	spop (v2sf);
	(v2sf) =	vpush v17, $0x6  }
0x1e7: {  	v58 =	vld [tilespmem:s31+$0x0];
	v27 =	vmul.f32 v45, v12;
	v24 =	vadd.f32 v25, v52;
	s17 =	sadd.f32 s14, s10;
	s18 =	spop (v2sf);
	(v2sf) =	vpush v17, $0x1  }
0x1e8: {  	v51 =	vld [tilespmem:s31+$0x60];
	v21 =	vmul.f32 v46, v11;
	v16 =	vadd.f32 v16, v18;
	s1 =	sadd.f32 s20, s13;
	s19 =	spop (v2sf);
	(v2sf) =	vpush v17, $0x9  }
0x1e9: {  	v55 =	vld [tilespmem:s31+$0x30];
	v26 =	vadd.f32 v53, v27;
	v23 =	vmul.f32 v48, v9;
	s9 =	sadd.f32 s15, s26;
	(v2sf) =	vpush v17, $0x8;
	s2 =	spop (v2sf)  }
0x1ea: {  	v54 =	vld [tilespmem:s31+$0x40];
	v22 =	vmul.f32 v47, v10;
	v20 =	vmul.f32 v50, v7;
	s5 =	sadd.f32 s18, s21;
	(v2sf) =	vpush v16, $0x1;
	s20 =	spop (v2sf)  }
0x1eb: {  	v24 =	vadd.f32 v24, v26;
	v19 =	vmul.f32 v49, v8;
	s1 =	sadd.f32 s24, s1;
	v17 =	vld [tilespmem:s31+$0x50];
	(v2sf) =	vpush v16, $0xA;
	s21 =	spop (v2sf)  }
0x1ec: {  	v21 =	vadd.f32 v21, v22;
	v22 =	vmul.f32 v58, v0;
	s4 =	sadd.f32 s9, s11;
	(v2sf) =	vpush v16, $0xF;
	s24 =	spop (v2sf)  }
0x1ed: {  	v18 =	vmul.f32 v51, v6;
	v19 =	vadd.f32 v23, v19;
	s6 =	sadd.f32 s6, s19;
	(v2sf) =	vpush v16, $0xE;
	s26 =	spop (v2sf)  }
0x1ee: {  	v25 =	vmul.f32 v55, v3;
	v22 =	vadd.f32 v61, v22;
	s3 =	sadd.f32 s3, s5;
	(v2sf) =	vpush v16, $0xB;
	s5 =	spop (v2sf)  }
0x1ef: {  	v59 =	vmul.f32 v54, v4;
	v18 =	vadd.f32 v20, v18;
	s6 =	sadd.f32 s6, s17;
	(v2sf) =	vpush v16, $0x0;
	s31 =	spop (v2sf)  }
0x1f0: {  	v20 =	vadd.f32 v25, v60;
	s1 =	sadd.f32 s1, s3;
	v17 =	vmul.f32 v17, v5;
	(v2sf) =	vpush v16, $0x5;
	s13 =	spop (v2sf)  }
0x1f1: {  	v19 =	vadd.f32 v21, v19;
	s4 =	sadd.f32 s6, s4;
	(v2sf) =	vpush v16, $0xD;
	s14 =	spop (v2sf)  }
0x1f2: {  	s2 =	sadd.f32 s2, s21;
	v17 =	vadd.f32 v17, v59;
	(v2sf) =	vpush v16, $0x8;
	s15 =	spop (v2sf)  }
0x1f3: {  	v62 =	vadd.f32 v20, v22;
	s7 =	sadd.f32 s24, s20;
	(v2sf) =	vpush v16, $0x7;
	s17 =	spop (v2sf)  }
0x1f4: {  	s1 =	sadd.f32 s1, s4;
	v17 =	vadd.f32 v18, v17;
	(v2sf) =	vpush v16, $0x2;
	s18 =	spop (v2sf)  }
0x1f5: {  	v63 =	vadd.f32 v24, v19;
	s2 =	sadd.f32 s2, s7;
	(v2sf) =	vpush v16, $0x4;
	s19 =	spop (v2sf)  }
0x1f6: {  	s10 =	sadd.f32 s26, s15;
	v17 =	vadd.f32 v17, v62;
	(v2sf) =	vpush v16, $0xC;
	s20 =	spop (v2sf)  }
0x1f7: {  	s4 =	sadd.f32 s31, s17;
	s21 =	spop (v2sf);
	(v2sf) =	vpush v16, $0x3  }
0x1f8: {  	s6 =	sadd.f32 s14, s18;
	v17 =	vadd.f32 v63, v17;
	s24 =	spop (v2sf);
	(v2sf) =	vpush v16, $0x9  }
0x1f9: {  	s5 =	sadd.f32 s5, s19;
	s26 =	spop (v2sf);
	(v2sf) =	vpush v16, $0x6  }
0x1fa: {  	s3 =	sadd.f32 s20, s13;
	s31 =	spop (v2sf);
	(v2sf) =	vpush v17, $0xF  }
0x1fb: {  	s5 =	sadd.f32 s5, s6;
	s13 =	spop (v2sf);
	(v2sf) =	vpush v17, $0xC  }
0x1fc: {  	s8 =	sadd.f32 s21, s24;
	s14 =	spop (v2sf);
	(v2sf) =	vpush v17, $0xE  }
0x1fd: {  	s3 =	sadd.f32 s4, s3;
	s15 =	spop (v2sf);
	(v2sf) =	vpush v17, $0xD  }
0x1fe: {  	s8 =	sadd.f32 s10, s8;
	s17 =	spop (v2sf);
	(v2sf) =	vpush v17, $0xB  }
0x1ff: {  	s3 =	sadd.f32 s5, s3;
	s18 =	spop (v2sf);
	(v2sf) =	vpush v17, $0x7  }
0x200: {  	s2 =	sadd.f32 s2, s8;
	s19 =	spop (v2sf);
	(v2sf) =	vpush v17, $0x3  }
0x201: {  	s4 =	sadd.f32 s13, s14;
	s20 =	spop (v2sf);
	(v2sf) =	vpush v17, $0x0  }
0x202: {  	s6 =	sadd.f32 s15, s31;
	s21 =	spop (v2sf);
	(v2sf) =	vpush v17, $0x5  }
0x203: {  	s2 =	sadd.f32 s2, s3;
	s24 =	spop (v2sf);
	(v2sf) =	vpush v17, $0xA  }
0x204: {  	s10 =	sadd.f32 s26, s17;
	s26 =	spop (v2sf);
	(v2sf) =	vpush v17, $0x2  }
0x205: {  	s31 =	spop (v2sf);
	(v2sf) =	vpush v17, $0x4;
	s7 =	sadd.f32 s18, s26  }
0x206: {  	s13 =	spop (v2sf);
	(v2sf) =	vpush v17, $0x6;
	s5 =	sadd.f32 s19, s31  }
0x207: {  	s3 =	sadd.f32 s13, s24;
	s14 =	spop (v2sf);
	(v2sf) =	vpush v17, $0x1  }
0x208: {  	s8 =	sadd.f32 s14, s20;
	s15 =	spop (v2sf)  }
0x209: {  	(v2sf) =	vpush v17, $0x9;
	s4 =	sadd.f32 s4, s5;
	s11 =	spop (v2sf)  }
0x20a: {  	s3 =	sadd.f32 s3, s10;
	(v2sf) =	vpush v17, $0x8;
	s17 =	spop (v2sf)  }
0x20b: {  	s9 =	sadd.f32 s21, s15;
	s18 =	spop (v2sf)  }
0x20c: {  	s6 =	sadd.f32 s6, s8;
	s19 =	spop (v2sf)  }
0x20d: {  	s7 =	sadd.f32 s9, s7;
	s20 =	spop (v2sf)  }
0x20e: {  	s4 =	sadd.f32 s4, s6;
	s21 =	spop (v2sf)  }
0x20f: {  	s5 =	sadd.f32 s11, s18;
	s24 =	spop (v2sf)  }
0x210: {  	s3 =	sadd.f32 s7, s3;
	s26 =	spop (v2sf)  }
0x211: {  	s10 =	sadd.f32 s19, s17;
	s31 =	spop (v2sf)  }
0x212: {  	s3 =	sadd.f32 s4, s3;
	s13 =	spop (v2sf)  }
0x213: {  	s4 =	sadd.f32 s20, s13;
	s14 =	spop (v2sf)  }
0x214: {  	s6 =	sadd.f32 s24, s14;
	s15 =	spop (v2sf)  }
0x215: {  	s17 =	spop (v2sf);
	s8 =	sadd.f32 s31, s15  }
0x216: {  	s22 =	smov.u32 @p2 s0;
	s31 =	sadd.f32 s5, s10;
	s18 =	spop (v2sf)  }
0x217: {  	p3 =	sgt.f32 s1, s22;
	s19 =	sadd.f32 s18, s26  }
0x218: {  	s20 =	sadd.f32 s21, s17;
	s21 =	spop (v2sf)  }
0x219: {  	s24 =	spop (v2sf);
	s0 =	sadd.f32 s6, s19  }
0x21a: {  	s6 =	sadd.f32 s21, s24  }
0x21b: {  	s22 =	smov.u32 @p3 s1;
	s7 =	sadd.f32 s20, s8  }
0x21c: {  	p4 =	sgt.f32 s2, s22;
	s26 =	sadd.f32 s4, s6  }
0x21d: {  	s0 =	sadd.f32 s7, s0  }
0x21e: {  	s22 =	smov.u32 @p4 s2;
	s1 =	sadd.f32 s31, s26  }
0x21f: {  	s23 =	smov.u32 @p1 s30;
	s2 =	sadd.s32 $0x1, s30;
	p1 =	sgt.f32 s3, s22  }
.Ltmp4:
0x220: {  	s23 =	smov.u32 @p2 s2;
	s0 =	sadd.f32 s1, s0;
	(pc) =	sbr.rel @p0 .LBB2_8-.Ltmp4, $4  }
0x221: {  	s23 =	smov.u32 @p3 s29;
	s22 =	smov.u32 @p1 s3;
	s1 =	sadd.s32 $0x1, s29  }
0x222: {  	s2 =	sadd.s32 $0x2, s28;
	s23 =	smov.u32 @p4 s1;
	p2 =	sgt.f32 s0, s22  }
0x223: {  	s1 =	sadd.s32 $0x1, s2;
	s23 =	smov.u32 @p1 s2  }
0x224: {  	s22 =	smov.u32 @p2 s0;
	s23 =	smov.u32 @p2 s1  }
0x225: {  	s0 =	rddreg [dreg:$0x8]  }
0x226: {  	s12 =	rddreg [dreg:$0x10]  }
.Ltmp5:
0x227: {  	s0 =	sadd.s32 s12, s0;
	(pc) =	sbr.rel .LBB2_2-.Ltmp5, $4  }
0x228: {  	s1 =	rddreg [dreg:$0x6];
	s31 =	simm.s32 $0x0;
	s0 =	sshll.u32 s0, $0xD  }
0x229: {  	s2 =	simm.s32 $0x8100;
	s25 =	sadd.s32 $0x100, s25;
	s0 =	sand.u32 $0x1FFFE000, s0  }
0x22a: {  	s16 =	sadd.s32 $0x100, s16;
	s12 =	sadd.s32 $0x1, s12;
	s0 =	sadd.s32 s0, s1  }
0x22b: {  	[tilespmem:s2], [sflag:$0x2] =	stream.linear.gather [hbm4b:s0+s31], $0x8000, $0x38;
	[tilespmem:$0x10200] =	vst v63  }
.LBB2_9:
0x22c: {  	_ =	sfence.sel $0x180000  }
0x22d: {  	[bflag:$0x0] =	sbarrier.arrive $0xFFFF  }
0x22e: {  	_ =	strace $0x90000047  }
0x22f: {  	s0 =	stileid.u32;
	[bflag:$0x2] =	sbarrier.arrive $0xFFFF  }
0x230: {  	p0 =	sne.s32 s0, $0x0;
	s0 =	rddreg [dreg:$0x4]  }
0x231: {  	s0 =	sadd.s32 @!p0 $0x100000, s0  }
0x232: {  	[sflag:s0] =	ssyncadd.tile.s32 @!p0 $0x1;
	_ =	shalt  }
.Lfunc_end2:
_tile_overlayer_lowered:
.L_overlay_start_2:
0x233: {  	(tag) =	ssettag $0x2  }
0x234: {  	s0 =	rddreg [dreg:$0x0];
	s2 =	stileid.u32  }
0x235: {  	s1 =	rddreg [dreg:$0x1];
	p0 =	sne.s32 s2, $0x0  }
0x236: {  	s3 =	rddreg [dreg:$0x2];
	[bflag:$0x3] =	sbarrier.arrive $0xFFFF;
	s2 =	simm.s32 @!p0 $0x1C03  }
0x237: {  	[timem:s3], [sflag:s2] =	dma.local @!p0 [hbm:s0], s1  }
0x238: {  	s0 =	simm.s32 @!p0 $0x3  }
0x239: {  	_ =	swait.ge @!p0 [sflag:s0], s1  }
0x23a: {  	s1 =	ssub.s32 @!p0 $0x0, s1;
	[sflag:s0] =	ssyncset.done @!p0 $0x0  }
0x23b: {  	[sflag:s0] =	ssyncadd.s32 @!p0 s1  }
0x23c: {  	[bflag:$0x3] =	sbarrier.arrive $0xFFFF  }
0x23d: {  	_ =	shalt  }

</sc_bundles>
